<compile_context>
chip_gen: v7x
topology: tpu7x:2x2x1
jax: 0.10.2.dev20260603
libtpu: 0.0.44.dev20260713+nightly
codegen_flags: <defaults>
</compile_context>

<pallas_src>
import functools

import jax
import jax.numpy as jnp
from jax import lax
from jax.experimental import pallas as pl
from jax.experimental.pallas import tpu as pltpu
from jax.experimental.pallas import tpu_sc as plsc

LENGTH = 1000000
BATCH = 1024
NB = 977
NOUT = NB * BATCH
PAD = NOUT - LENGTH

W = 32
CHUNK = 31744
ROWS = 248
VREGS = CHUNK // 16
N2 = W * CHUNK
KROWS = N2 // 128
KBLK = KROWS // 8
NBKT = 4096
SENT = 1 << 23


def _keys_body(kd_ref, out_ref):
    pid = pl.program_id(0)
    k0 = kd_ref[0]
    k1 = kd_ref[1]
    k2 = k0 ^ k1 ^ jnp.uint32(0x1BD11BDA)
    r = lax.broadcasted_iota(jnp.uint32, (KBLK, 128), 0)
    c = lax.broadcasted_iota(jnp.uint32, (KBLK, 128), 1)
    i = (r + jnp.uint32(KBLK) * pid.astype(jnp.uint32)) * jnp.uint32(128) + c
    ks = (k0, k1, k2)
    x0 = jnp.zeros_like(i) + k0
    x1 = i + k1
    rots = ((13, 15, 26, 6), (17, 29, 16, 24))
    for rnd in range(5):
        for rot in rots[rnd % 2]:
            x0 = x0 + x1
            x1 = (x1 << jnp.uint32(rot)) | (x1 >> jnp.uint32(32 - rot))
            x1 = x0 ^ x1
        x0 = x0 + ks[(rnd + 1) % 3]
        x1 = x1 + ks[(rnd + 2) % 3] + jnp.uint32(rnd + 1)
    bits = x0 ^ x1
    key23 = (bits >> jnp.uint32(9)).astype(jnp.int32)
    out_ref[...] = jnp.where(i.astype(jnp.int32) < LENGTH, key23, SENT)


def _wid():
    return lax.axis_index("c") * 16 + lax.axis_index("s")


def _hist_body(shift, keys_hbm, h_hbm, kv, h):
    w = _wid()

    def zero(i, _):
        h[pl.ds(i * 16, 16)] = jnp.zeros((16,), jnp.int32)
        return 0

    lax.fori_loop(0, NBKT // 16, zero, 0)
    pltpu.sync_copy(keys_hbm.at[pl.ds(w * CHUNK, CHUNK)], kv)

    def body(i, _):
        k = kv[pl.ds(i * 16, 16)]
        d = (k >> shift) & 0xFFF
        c1, l1 = plsc.scan_count(d)
        plsc.addupdate_scatter(h, [d], c1, mask=l1)
        return 0

    lax.fori_loop(0, VREGS, body, 0)
    pltpu.sync_copy(h, h_hbm.at[w])


def _scan_body(h_hbm, b_hbm, rowv, acc):
    c = lax.axis_index("c")
    s = lax.axis_index("s")

    @pl.when(jnp.logical_and(c == 0, s == 0))
    def _():
        def zeroa(i, _):
            acc[pl.ds(i * 16, 16)] = jnp.zeros((16,), jnp.int32)
            return 0

        lax.fori_loop(0, NBKT // 16, zeroa, 0)

        def addrow(wp, _):
            pltpu.sync_copy(h_hbm.at[wp], rowv)

            def addv(i, _):
                sl = pl.ds(i * 16, 16)
                acc[sl] = acc[sl] + rowv[sl]
                return 0

            lax.fori_loop(0, NBKT // 16, addv, 0)
            return 0

        lax.fori_loop(0, W, addrow, 0)

        def scan(i, carry):
            sl = pl.ds(i * 16, 16)
            v = acc[sl]
            s_incl = plsc.cumsum(v)
            acc[sl] = s_incl - v + carry
            return carry + jnp.sum(v)

        lax.fori_loop(0, NBKT // 16, scan, jnp.int32(0))

        def rowloop(wp, _):
            pltpu.sync_copy(acc, b_hbm.at[wp])
            pltpu.sync_copy(h_hbm.at[wp], rowv)

            def addv(i, _):
                sl = pl.ds(i * 16, 16)
                acc[sl] = acc[sl] + rowv[sl]
                return 0

            lax.fori_loop(0, NBKT // 16, addv, 0)
            return 0

        lax.fori_loop(0, W, rowloop, 0)


def _perm1_body(keys_hbm, b1_hbm, p2_hbm, kv, occ, destb, payb, sem):
    w = _wid()
    pltpu.sync_copy(keys_hbm.at[pl.ds(w * CHUNK, CHUNK)], kv)
    pltpu.sync_copy(b1_hbm.at[w], occ)

    def body(i, _):
        k = kv[pl.ds(i * 16, 16)]
        d = k & 0xFFF
        cnt, last = plsc.scan_count(d)
        old = plsc.load_gather(occ, [d])
        plsc.store_scatter(occ, [d], old + cnt, mask=last)
        destb[pl.ds(i * 16, 16)] = old + cnt - 1
        gid = w * CHUNK + i * 16 + lax.iota(jnp.int32, 16)
        idx1 = jnp.where(gid < LENGTH, gid + 1, 0)
        payb[pl.ds(i * 16, 16)] = ((k >> 12) << 20) | idx1
        return 0

    lax.fori_loop(0, VREGS, body, 0)
    pltpu.async_copy(payb, p2_hbm.at[destb], sem).wait()


def _perm2_body(p2_hbm, b2_hbm, out_hbm, kv, occ, destb, payb, sem):
    w = _wid()
    pltpu.sync_copy(p2_hbm.at[pl.ds(w * CHUNK, CHUNK)], kv)
    pltpu.sync_copy(b2_hbm.at[w], occ)

    def body(i, _):
        k = kv[pl.ds(i * 16, 16)]
        d = (k >> 20) & 0xFFF
        cnt, last = plsc.scan_count(d)
        old = plsc.load_gather(occ, [d])
        plsc.store_scatter(occ, [d], old + cnt, mask=last)
        destb[pl.ds(i * 16, 16)] = old + cnt - 1
        payb[pl.ds(i * 16, 16)] = (k & 0xFFFFF) - 1
        return 0

    lax.fori_loop(0, VREGS, body, 0)
    pltpu.async_copy(payb, out_hbm.at[destb], sem).wait()


def kernel(key):
    kd = jax.random.key_data(key).astype(jnp.uint32)

    keys2d = pl.pallas_call(
        _keys_body,
        grid=(8,),
        in_specs=[pl.BlockSpec(memory_space=pltpu.SMEM)],
        out_specs=pl.BlockSpec((KBLK, 128), lambda i: (i, 0)),
        out_shape=jax.ShapeDtypeStruct((KROWS, 128), jnp.int32),
    )(kd)
    keys = keys2d.reshape(N2)

    mesh = plsc.VectorSubcoreMesh(core_axis_name="c", subcore_axis_name="s")
    cparams = pltpu.CompilerParams(needs_layout_passes=False)

    def make_hist(shift):
        return pl.kernel(
            functools.partial(_hist_body, shift),
            out_type=jax.ShapeDtypeStruct((W, NBKT), jnp.int32),
            mesh=mesh,
            compiler_params=cparams,
            scratch_types=[
                pltpu.VMEM((CHUNK,), jnp.int32),
                pltpu.VMEM((NBKT,), jnp.int32),
            ],
        )

    scan = pl.kernel(
        _scan_body,
        out_type=jax.ShapeDtypeStruct((W, NBKT), jnp.int32),
        mesh=mesh,
        compiler_params=cparams,
        scratch_types=[
            pltpu.VMEM((NBKT,), jnp.int32),
            pltpu.VMEM((NBKT,), jnp.int32),
        ],
    )

    h1 = make_hist(0)(keys)
    b1 = scan(h1)

    perm1 = pl.kernel(
        _perm1_body,
        out_type=jax.ShapeDtypeStruct((N2,), jnp.int32),
        mesh=mesh,
        compiler_params=cparams,
        scratch_types=[
            pltpu.VMEM((CHUNK,), jnp.int32),
            pltpu.VMEM((NBKT,), jnp.int32),
            pltpu.VMEM((CHUNK,), jnp.int32),
            pltpu.VMEM((CHUNK,), jnp.int32),
            pltpu.SemaphoreType.DMA,
        ],
    )
    p2 = perm1(keys, b1)

    h2 = make_hist(20)(p2)
    b2 = scan(h2)

    perm2 = pl.kernel(
        _perm2_body,
        out_type=jax.ShapeDtypeStruct((N2,), jnp.int32),
        mesh=mesh,
        compiler_params=cparams,
        scratch_types=[
            pltpu.VMEM((CHUNK,), jnp.int32),
            pltpu.VMEM((NBKT,), jnp.int32),
            pltpu.VMEM((CHUNK,), jnp.int32),
            pltpu.VMEM((CHUNK,), jnp.int32),
            pltpu.SemaphoreType.DMA,
        ],
    )
    flat = perm2(p2, b2)

    idxes = flat[:NOUT].reshape(NB, BATCH)
    pad_mask = jnp.zeros((NB, BATCH), jnp.bool_).at[NB - 1, BATCH - PAD:].set(True)
    return (idxes, pad_mask)

# --- scband reference (transcript-rebuilt; emitter-appended) ---
"""Pipeline reference for scband-idx-dataloader-7980049236656 (READ-ONLY COPY).

The authoritative reference and input builder live on the scoring server;
editing this copy changes nothing except your own understanding.
"""

import jax, jax.numpy as jnp
import numpy as np

LENGTH = 1000000
BATCH_SIZE = 1024
_R = LENGTH % BATCH_SIZE
PAD = (BATCH_SIZE - _R) % BATCH_SIZE if _R else 0
DROP_NUM = 0


def setup_inputs(seed: int = 0) -> dict:
    # The forward takes a PRNG key (not a normal tensor input).
    key = jax.random.key(seed)
    return {"key": key}


def reference(key):
    # Faithful translation of IdxDataloader.__call__ (drop_last=False).
    idxes = jnp.arange(LENGTH)
    # shuffle: permute indices by argsort of uniform noise (fallback_argsort == argsort)
    u = jax.random.uniform(key, (LENGTH,))
    perm = jnp.argsort(u)
    idxes = jnp.take_along_axis(idxes, perm, axis=0)
    length = LENGTH - DROP_NUM if DROP_NUM else LENGTH
    # pad with -1 sentinel so total length divides batch_size (jnp.r_ equivalent)
    idxes = jnp.concatenate([idxes, jnp.full((PAD,), -1, idxes.dtype)])
    idxes = idxes[: length + PAD].reshape(-1, BATCH_SIZE)
    pad_mask = jnp.where(idxes == -1, 1, 0).astype(bool)
    # DState(xs=idxes, pad=pad_mask) -> return as tuple
    return (idxes, pad_mask)

if __name__ == "__main__":
    import jax
    _d = setup_inputs()
    print(jax.jit(kernel)(*tuple(_d.values())))

</pallas_src>

<mosaic_0001>
#map = affine_map<(d0, d1) -> (0)>
#map1 = affine_map<(d0, d1) -> (0, 0)>
module attributes {stable_mosaic.version = 14 : i64} {
  func.func @_hist_body(%arg0: i32, %arg1: i32, %arg2: memref<1015808xi32, #tpu.memory_space<hbm>>, %arg3: memref<32x4096xi32, #tpu.memory_space<hbm>>, %arg4: memref<31744xi32, #tpu.memory_space<vmem>>, %arg5: memref<4096xi32, #tpu.memory_space<vmem>>) attributes {dimension_semantics = [#tpu.dimension_semantics<core_parallel>, #tpu.dimension_semantics<subcore_parallel>], iteration_bounds = array<i64: 2, 16>, scalar_prefetch = 0 : i64, scratch_operands = 2 : i64, tpu.core_type = #tpu.core_type<sc_vector_subcore>, window_params = [{transform_indices = #map}, {transform_indices = #map1}]} {
    %mul3A = arith.constant 16 : i32
    %mul3A_0 = arith.muli %arg0, %mul3A : i32
    %add3A = arith.addi %mul3A_0, %arg1 : i32
    %scan3A = arith.constant 0 : i32
    %scan3A_1 = arith.constant 0 : i32
    %scan3A_2 = arith.constant 256 : i32
    %scan3A_3 = arith.addi %scan3A_1, %scan3A_2 : i32
    %scan3A_4 = arith.constant 1 : i32
    %scan3A_5 = scf.for %scan3A_16 = %scan3A_1 to %scan3A_3 step %scan3A_4 iter_args(%scan3A_17 = %scan3A) -> (i32)  : i32 {
      %broadcast_in_dim3A = arith.constant 0 : i32
      %broadcast_in_dim3A_18 = vector.broadcast %broadcast_in_dim3A : i32 to vector<16xi32>
      %mul3A_19 = arith.constant 16 : i32
      %mul3A_20 = arith.muli %scan3A_16, %mul3A_19 : i32
      %swap3A = arith.index_cast %mul3A_20 : i32 to index
      %swap3A_21 = tpu.vector_load %arg5[%swap3A] {strides = array<i32>} : memref<4096xi32, #tpu.memory_space<vmem>>, vector<16xi32>,
      tpu.vector_store %arg5[%swap3A], %broadcast_in_dim3A_18 {strides = array<i32>} : memref<4096xi32, #tpu.memory_space<vmem>>, vector<16xi32>,
      %scan3A_22 = arith.constant 0 : i32
      scf.yield %scan3A_22 : i32
    }
    %scan3A_6 = arith.constant 256 : i32
    %mul3A_7 = arith.constant 31744 : i32
    %mul3A_8 = arith.muli %add3A, %mul3A_7 : i32
    "tpu.region"() ({
      %run_scoped3A = tpu.sem_alloc : memref<!tpu.dma_semaphore, #tpu.memory_space<semaphore_mem>>
      %dma_start3A = tpu.memref_slice %arg2[%mul3A_8] : memref<1015808xi32, #tpu.memory_space<hbm>> -> memref<31744xi32, #tpu.memory_space<hbm>>
      %dma_start3A_16 = tpu.memref_slice %arg2[%mul3A_8] : memref<1015808xi32, #tpu.memory_space<hbm>> -> memref<31744xi32, #tpu.memory_space<hbm>>
      tpu.enqueue_dma source(%dma_start3A_16 : memref<31744xi32, #tpu.memory_space<hbm>>) target(%arg4 : memref<31744xi32, #tpu.memory_space<vmem>>) target_semaphore(%run_scoped3A : memref<!tpu.dma_semaphore, #tpu.memory_space<semaphore_mem>>)
      %dma_wait3A = tpu.memref_slice %arg2[%mul3A_8] : memref<1015808xi32, #tpu.memory_space<hbm>> -> memref<31744xi32, #tpu.memory_space<hbm>>
      %dma_wait3A_17 = tpu.memref_slice %arg2[%mul3A_8] : memref<1015808xi32, #tpu.memory_space<hbm>> -> memref<31744xi32, #tpu.memory_space<hbm>>
      tpu.wait_dma2 semaphore(%run_scoped3A : memref<!tpu.dma_semaphore, #tpu.memory_space<semaphore_mem>>) src(%dma_wait3A_17 : memref<31744xi32, #tpu.memory_space<hbm>>) dst(%arg4 : memref<31744xi32, #tpu.memory_space<vmem>>)
      tpu.yield
    }) : () -> ()
    %scan3A_9 = arith.constant 0 : i32
    %scan3A_10 = arith.constant 0 : i32
    %scan3A_11 = arith.constant 1984 : i32
    %scan3A_12 = arith.addi %scan3A_10, %scan3A_11 : i32
    %scan3A_13 = arith.constant 1 : i32
    %scan3A_14 = scf.for %scan3A_16 = %scan3A_10 to %scan3A_12 step %scan3A_13 iter_args(%scan3A_17 = %scan3A_9) -> (i32)  : i32 {
      %mul3A_18 = arith.constant 16 : i32
      %mul3A_19 = arith.muli %scan3A_16, %mul3A_18 : i32
      %get3A = arith.index_cast %mul3A_19 : i32 to index
      %get3A_20 = tpu.vector_load %arg4[%get3A] {strides = array<i32>} : memref<31744xi32, #tpu.memory_space<vmem>>, vector<16xi32>,
      %shift_right_arithmetic3A = arith.constant 0 : i32
      %shift_right_arithmetic3A_21 = vector.broadcast %shift_right_arithmetic3A : i32 to vector<16xi32>
      %shift_right_arithmetic3A_22 = arith.shrsi %get3A_20, %shift_right_arithmetic3A_21 : vector<16xi32>
      %and3A = arith.constant 4095 : i32
      %and3A_23 = vector.broadcast %and3A : i32 to vector<16xi32>
      %and3A_24 = arith.andi %shift_right_arithmetic3A_22, %and3A_23 : vector<16xi32>
      %broadcast_in_dim3A = arith.constant true
      %broadcast_in_dim3A_25 = vector.broadcast %broadcast_in_dim3A : i1 to vector<16xi1>
      %unique3A, %unique3A_26 = tpu.scan_count mask(%broadcast_in_dim3A_25 : vector<16xi1>) value(%and3A_24 : vector<16xi32>) : vector<16xi1>, vector<16xi32>
      tpu.vector_store_idx %arg5[%and3A_24], %unique3A_26 masked %unique3A {add = true} : memref<4096xi32, #tpu.memory_space<vmem>>[vector<16xi32>], vector<16xi32>, vector<16xi1>
      %scan3A_27 = arith.constant 0 : i32
      scf.yield %scan3A_27 : i32
    }
    %scan3A_15 = arith.constant 1984 : i32
    "tpu.region"() ({
      %run_scoped3A = tpu.sem_alloc : memref<!tpu.dma_semaphore, #tpu.memory_space<semaphore_mem>>
      %dma_start3A = arith.constant 0 : i32
      %dma_start3A_16 = tpu.memref_slice %arg3[%add3A, %dma_start3A] : memref<32x4096xi32, #tpu.memory_space<hbm>> -> memref<1x4096xi32, #tpu.memory_space<hbm>>
      %dma_start3A_17 = tpu.memref_squeeze %dma_start3A_16 : memref<1x4096xi32, #tpu.memory_space<hbm>> -> memref<4096xi32, #tpu.memory_space<hbm>>
      %dma_start3A_18 = arith.constant 0 : i32
      %dma_start3A_19 = tpu.memref_slice %arg3[%add3A, %dma_start3A_18] : memref<32x4096xi32, #tpu.memory_space<hbm>> -> memref<1x4096xi32, #tpu.memory_space<hbm>>
      %dma_start3A_20 = tpu.memref_squeeze %dma_start3A_19 : memref<1x4096xi32, #tpu.memory_space<hbm>> -> memref<4096xi32, #tpu.memory_space<hbm>>
      tpu.enqueue_dma source(%arg5 : memref<4096xi32, #tpu.memory_space<vmem>>) target(%dma_start3A_20 : memref<4096xi32, #tpu.memory_space<hbm>>) target_semaphore(%run_scoped3A : memref<!tpu.dma_semaphore, #tpu.memory_space<semaphore_mem>>)
      %dma_wait3A = arith.constant 0 : i32
      %dma_wait3A_21 = tpu.memref_slice %arg3[%add3A, %dma_wait3A] : memref<32x4096xi32, #tpu.memory_space<hbm>> -> memref<1x4096xi32, #tpu.memory_space<hbm>>
      %dma_wait3A_22 = tpu.memref_squeeze %dma_wait3A_21 : memref<1x4096xi32, #tpu.memory_space<hbm>> -> memref<4096xi32, #tpu.memory_space<hbm>>
      %dma_wait3A_23 = arith.constant 0 : i32
      %dma_wait3A_24 = tpu.memref_slice %arg3[%add3A, %dma_wait3A_23] : memref<32x4096xi32, #tpu.memory_space<hbm>> -> memref<1x4096xi32, #tpu.memory_space<hbm>>
      %dma_wait3A_25 = tpu.memref_squeeze %dma_wait3A_24 : memref<1x4096xi32, #tpu.memory_space<hbm>> -> memref<4096xi32, #tpu.memory_space<hbm>>
      tpu.wait_dma2 semaphore(%run_scoped3A : memref<!tpu.dma_semaphore, #tpu.memory_space<semaphore_mem>>) src(%arg5 : memref<4096xi32, #tpu.memory_space<vmem>>) dst(%dma_wait3A_25 : memref<4096xi32, #tpu.memory_space<hbm>>)
      tpu.yield
    }) : () -> ()
    return
  }
}

#map = affine_map<(d0, d1) -> (0)>
#map1 = affine_map<(d0, d1) -> (0, 0)>
module attributes {stable_mosaic.version = 14 : i64} {
  func.func @_hist_body(%arg0: i32, %arg1: i32, %arg2: memref<1015808xi32, #tpu.memory_space<hbm>>, %arg3: memref<32x4096xi32, #tpu.memory_space<hbm>>, %arg4: memref<31744xi32, #tpu.memory_space<vmem>>, %arg5: memref<4096xi32, #tpu.memory_space<vmem>>) attributes {dimension_semantics = [#tpu.dimension_semantics<core_parallel>, #tpu.dimension_semantics<subcore_parallel>], iteration_bounds = array<i64: 2, 16>, scalar_prefetch = 0 : i64, scratch_operands = 2 : i64, tpu.core_type = #tpu.core_type<sc_vector_subcore>, window_params = [{transform_indices = #map}, {transform_indices = #map1}]} {
    %mul3A = arith.constant 16 : i32
    %mul3A_0 = arith.muli %arg0, %mul3A : i32
    %add3A = arith.addi %mul3A_0, %arg1 : i32
    %scan3A = arith.constant 0 : i32
    %scan3A_1 = arith.constant 0 : i32
    %scan3A_2 = arith.constant 256 : i32
    %scan3A_3 = arith.addi %scan3A_1, %scan3A_2 : i32
    %scan3A_4 = arith.constant 1 : i32
    %scan3A_5 = scf.for %scan3A_16 = %scan3A_1 to %scan3A_3 step %scan3A_4 iter_args(%scan3A_17 = %scan3A) -> (i32)  : i32 {
      %broadcast_in_dim3A = arith.constant 0 : i32
      %broadcast_in_dim3A_18 = vector.broadcast %broadcast_in_dim3A : i32 to vector<16xi32>
      %mul3A_19 = arith.constant 16 : i32
      %mul3A_20 = arith.muli %scan3A_16, %mul3A_19 : i32
      %swap3A = arith.index_cast %mul3A_20 : i32 to index
      %swap3A_21 = tpu.vector_load %arg5[%swap3A] {strides = array<i32>} : memref<4096xi32, #tpu.memory_space<vmem>>, vector<16xi32>,
      tpu.vector_store %arg5[%swap3A], %broadcast_in_dim3A_18 {strides = array<i32>} : memref<4096xi32, #tpu.memory_space<vmem>>, vector<16xi32>,
      %scan3A_22 = arith.constant 0 : i32
      scf.yield %scan3A_22 : i32
    }
    %scan3A_6 = arith.constant 256 : i32
    %mul3A_7 = arith.constant 31744 : i32
    %mul3A_8 = arith.muli %add3A, %mul3A_7 : i32
    "tpu.region"() ({
      %run_scoped3A = tpu.sem_alloc : memref<!tpu.dma_semaphore, #tpu.memory_space<semaphore_mem>>
      %dma_start3A = tpu.memref_slice %arg2[%mul3A_8] : memref<1015808xi32, #tpu.memory_space<hbm>> -> memref<31744xi32, #tpu.memory_space<hbm>>
      %dma_start3A_16 = tpu.memref_slice %arg2[%mul3A_8] : memref<1015808xi32, #tpu.memory_space<hbm>> -> memref<31744xi32, #tpu.memory_space<hbm>>
      tpu.enqueue_dma source(%dma_start3A_16 : memref<31744xi32, #tpu.memory_space<hbm>>) target(%arg4 : memref<31744xi32, #tpu.memory_space<vmem>>) target_semaphore(%run_scoped3A : memref<!tpu.dma_semaphore, #tpu.memory_space<semaphore_mem>>)
      %dma_wait3A = tpu.memref_slice %arg2[%mul3A_8] : memref<1015808xi32, #tpu.memory_space<hbm>> -> memref<31744xi32, #tpu.memory_space<hbm>>
      %dma_wait3A_17 = tpu.memref_slice %arg2[%mul3A_8] : memref<1015808xi32, #tpu.memory_space<hbm>> -> memref<31744xi32, #tpu.memory_space<hbm>>
      tpu.wait_dma2 semaphore(%run_scoped3A : memref<!tpu.dma_semaphore, #tpu.memory_space<semaphore_mem>>) src(%dma_wait3A_17 : memref<31744xi32, #tpu.memory_space<hbm>>) dst(%arg4 : memref<31744xi32, #tpu.memory_space<vmem>>)
      tpu.yield
    }) : () -> ()
    %scan3A_9 = arith.constant 0 : i32
    %scan3A_10 = arith.constant 0 : i32
    %scan3A_11 = arith.constant 1984 : i32
    %scan3A_12 = arith.addi %scan3A_10, %scan3A_11 : i32
    %scan3A_13 = arith.constant 1 : i32
    %scan3A_14 = scf.for %scan3A_16 = %scan3A_10 to %scan3A_12 step %scan3A_13 iter_args(%scan3A_17 = %scan3A_9) -> (i32)  : i32 {
      %mul3A_18 = arith.constant 16 : i32
      %mul3A_19 = arith.muli %scan3A_16, %mul3A_18 : i32
      %get3A = arith.index_cast %mul3A_19 : i32 to index
      %get3A_20 = tpu.vector_load %arg4[%get3A] {strides = array<i32>} : memref<31744xi32, #tpu.memory_space<vmem>>, vector<16xi32>,
      %shift_right_arithmetic3A = arith.constant 20 : i32
      %shift_right_arithmetic3A_21 = vector.broadcast %shift_right_arithmetic3A : i32 to vector<16xi32>
      %shift_right_arithmetic3A_22 = arith.shrsi %get3A_20, %shift_right_arithmetic3A_21 : vector<16xi32>
      %and3A = arith.constant 4095 : i32
      %and3A_23 = vector.broadcast %and3A : i32 to vector<16xi32>
      %and3A_24 = arith.andi %shift_right_arithmetic3A_22, %and3A_23 : vector<16xi32>
      %broadcast_in_dim3A = arith.constant true
      %broadcast_in_dim3A_25 = vector.broadcast %broadcast_in_dim3A : i1 to vector<16xi1>
      %unique3A, %unique3A_26 = tpu.scan_count mask(%broadcast_in_dim3A_25 : vector<16xi1>) value(%and3A_24 : vector<16xi32>) : vector<16xi1>, vector<16xi32>
      tpu.vector_store_idx %arg5[%and3A_24], %unique3A_26 masked %unique3A {add = true} : memref<4096xi32, #tpu.memory_space<vmem>>[vector<16xi32>], vector<16xi32>, vector<16xi1>
      %scan3A_27 = arith.constant 0 : i32
      scf.yield %scan3A_27 : i32
    }
    %scan3A_15 = arith.constant 1984 : i32
    "tpu.region"() ({
      %run_scoped3A = tpu.sem_alloc : memref<!tpu.dma_semaphore, #tpu.memory_space<semaphore_mem>>
      %dma_start3A = arith.constant 0 : i32
      %dma_start3A_16 = tpu.memref_slice %arg3[%add3A, %dma_start3A] : memref<32x4096xi32, #tpu.memory_space<hbm>> -> memref<1x4096xi32, #tpu.memory_space<hbm>>
      %dma_start3A_17 = tpu.memref_squeeze %dma_start3A_16 : memref<1x4096xi32, #tpu.memory_space<hbm>> -> memref<4096xi32, #tpu.memory_space<hbm>>
      %dma_start3A_18 = arith.constant 0 : i32
      %dma_start3A_19 = tpu.memref_slice %arg3[%add3A, %dma_start3A_18] : memref<32x4096xi32, #tpu.memory_space<hbm>> -> memref<1x4096xi32, #tpu.memory_space<hbm>>
      %dma_start3A_20 = tpu.memref_squeeze %dma_start3A_19 : memref<1x4096xi32, #tpu.memory_space<hbm>> -> memref<4096xi32, #tpu.memory_space<hbm>>
      tpu.enqueue_dma source(%arg5 : memref<4096xi32, #tpu.memory_space<vmem>>) target(%dma_start3A_20 : memref<4096xi32, #tpu.memory_space<hbm>>) target_semaphore(%run_scoped3A : memref<!tpu.dma_semaphore, #tpu.memory_space<semaphore_mem>>)
      %dma_wait3A = arith.constant 0 : i32
      %dma_wait3A_21 = tpu.memref_slice %arg3[%add3A, %dma_wait3A] : memref<32x4096xi32, #tpu.memory_space<hbm>> -> memref<1x4096xi32, #tpu.memory_space<hbm>>
      %dma_wait3A_22 = tpu.memref_squeeze %dma_wait3A_21 : memref<1x4096xi32, #tpu.memory_space<hbm>> -> memref<4096xi32, #tpu.memory_space<hbm>>
      %dma_wait3A_23 = arith.constant 0 : i32
      %dma_wait3A_24 = tpu.memref_slice %arg3[%add3A, %dma_wait3A_23] : memref<32x4096xi32, #tpu.memory_space<hbm>> -> memref<1x4096xi32, #tpu.memory_space<hbm>>
      %dma_wait3A_25 = tpu.memref_squeeze %dma_wait3A_24 : memref<1x4096xi32, #tpu.memory_space<hbm>> -> memref<4096xi32, #tpu.memory_space<hbm>>
      tpu.wait_dma2 semaphore(%run_scoped3A : memref<!tpu.dma_semaphore, #tpu.memory_space<semaphore_mem>>) src(%arg5 : memref<4096xi32, #tpu.memory_space<vmem>>) dst(%dma_wait3A_25 : memref<4096xi32, #tpu.memory_space<hbm>>)
      tpu.yield
    }) : () -> ()
    return
  }
}

#map = affine_map<(d0, d1) -> (0, 0)>
module attributes {stable_mosaic.version = 14 : i64} {
  func.func @_scan_body(%arg0: i32, %arg1: i32, %arg2: memref<32x4096xi32, #tpu.memory_space<hbm>>, %arg3: memref<32x4096xi32, #tpu.memory_space<hbm>>, %arg4: memref<4096xi32, #tpu.memory_space<vmem>>, %arg5: memref<4096xi32, #tpu.memory_space<vmem>>) attributes {dimension_semantics = [#tpu.dimension_semantics<core_parallel>, #tpu.dimension_semantics<subcore_parallel>], iteration_bounds = array<i64: 2, 16>, scalar_prefetch = 0 : i64, scratch_operands = 2 : i64, tpu.core_type = #tpu.core_type<sc_vector_subcore>, window_params = [{transform_indices = #map}, {transform_indices = #map}]} {
    %eq3A = arith.constant 0 : i32
    %eq3A_0 = arith.cmpi eq, %arg0, %eq3A : i32
    %eq3A_1 = arith.constant 0 : i32
    %eq3A_2 = arith.cmpi eq, %arg1, %eq3A_1 : i32
    %and3A = arith.andi %eq3A_0, %eq3A_2 : i1
    %convert_element_type3A = arith.extui %and3A : i1 to i32
    %cond3A = arith.constant 0 : i32
    %cond3A_3 = arith.cmpi ne, %convert_element_type3A, %cond3A : i32
    scf.if %cond3A_3 {
      %scan3A = arith.constant 0 : i32
      %scan3A_4 = arith.constant 0 : i32
      %scan3A_5 = arith.constant 256 : i32
      %scan3A_6 = arith.addi %scan3A_4, %scan3A_5 : i32
      %scan3A_7 = arith.constant 1 : i32
      %scan3A_8 = scf.for %scan3A_31 = %scan3A_4 to %scan3A_6 step %scan3A_7 iter_args(%scan3A_32 = %scan3A) -> (i32)  : i32 {
        %broadcast_in_dim3A = arith.constant 0 : i32
        %broadcast_in_dim3A_33 = vector.broadcast %broadcast_in_dim3A : i32 to vector<16xi32>
        %mul3A = arith.constant 16 : i32
        %mul3A_34 = arith.muli %scan3A_31, %mul3A : i32
        %swap3A = arith.index_cast %mul3A_34 : i32 to index
        %swap3A_35 = tpu.vector_load %arg5[%swap3A] {strides = array<i32>} : memref<4096xi32, #tpu.memory_space<vmem>>, vector<16xi32>,
        tpu.vector_store %arg5[%swap3A], %broadcast_in_dim3A_33 {strides = array<i32>} : memref<4096xi32, #tpu.memory_space<vmem>>, vector<16xi32>,
        %scan3A_36 = arith.constant 0 : i32
        scf.yield %scan3A_36 : i32
      }
      %scan3A_9 = arith.constant 256 : i32
      %scan3A_10 = arith.constant 0 : i32
      %scan3A_11 = arith.constant 0 : i32
      %scan3A_12 = arith.constant 32 : i32
      %scan3A_13 = arith.addi %scan3A_11, %scan3A_12 : i32
      %scan3A_14 = arith.constant 1 : i32
      %scan3A_15 = scf.for %scan3A_31 = %scan3A_11 to %scan3A_13 step %scan3A_14 iter_args(%scan3A_32 = %scan3A_10) -> (i32)  : i32 {
        "tpu.region"() ({
          %run_scoped3A = tpu.sem_alloc : memref<!tpu.dma_semaphore, #tpu.memory_space<semaphore_mem>>
          %dma_start3A = arith.constant 0 : i32
          %dma_start3A_41 = tpu.memref_slice %arg2[%scan3A_31, %dma_start3A] : memref<32x4096xi32, #tpu.memory_space<hbm>> -> memref<1x4096xi32, #tpu.memory_space<hbm>>
          %dma_start3A_42 = tpu.memref_squeeze %dma_start3A_41 : memref<1x4096xi32, #tpu.memory_space<hbm>> -> memref<4096xi32, #tpu.memory_space<hbm>>
          %dma_start3A_43 = arith.constant 0 : i32
          %dma_start3A_44 = tpu.memref_slice %arg2[%scan3A_31, %dma_start3A_43] : memref<32x4096xi32, #tpu.memory_space<hbm>> -> memref<1x4096xi32, #tpu.memory_space<hbm>>
          %dma_start3A_45 = tpu.memref_squeeze %dma_start3A_44 : memref<1x4096xi32, #tpu.memory_space<hbm>> -> memref<4096xi32, #tpu.memory_space<hbm>>
          tpu.enqueue_dma source(%dma_start3A_45 : memref<4096xi32, #tpu.memory_space<hbm>>) target(%arg4 : memref<4096xi32, #tpu.memory_space<vmem>>) target_semaphore(%run_scoped3A : memref<!tpu.dma_semaphore, #tpu.memory_space<semaphore_mem>>)
          %dma_wait3A = arith.constant 0 : i32
          %dma_wait3A_46 = tpu.memref_slice %arg2[%scan3A_31, %dma_wait3A] : memref<32x4096xi32, #tpu.memory_space<hbm>> -> memref<1x4096xi32, #tpu.memory_space<hbm>>
          %dma_wait3A_47 = tpu.memref_squeeze %dma_wait3A_46 : memref<1x4096xi32, #tpu.memory_space<hbm>> -> memref<4096xi32, #tpu.memory_space<hbm>>
          %dma_wait3A_48 = arith.constant 0 : i32
          %dma_wait3A_49 = tpu.memref_slice %arg2[%scan3A_31, %dma_wait3A_48] : memref<32x4096xi32, #tpu.memory_space<hbm>> -> memref<1x4096xi32, #tpu.memory_space<hbm>>
          %dma_wait3A_50 = tpu.memref_squeeze %dma_wait3A_49 : memref<1x4096xi32, #tpu.memory_space<hbm>> -> memref<4096xi32, #tpu.memory_space<hbm>>
          tpu.wait_dma2 semaphore(%run_scoped3A : memref<!tpu.dma_semaphore, #tpu.memory_space<semaphore_mem>>) src(%dma_wait3A_50 : memref<4096xi32, #tpu.memory_space<hbm>>) dst(%arg4 : memref<4096xi32, #tpu.memory_space<vmem>>)
          tpu.yield
        }) : () -> ()
        %scan3A_33 = arith.constant 0 : i32
        %scan3A_34 = arith.constant 0 : i32
        %scan3A_35 = arith.constant 256 : i32
        %scan3A_36 = arith.addi %scan3A_34, %scan3A_35 : i32
        %scan3A_37 = arith.constant 1 : i32
        %scan3A_38 = scf.for %scan3A_41 = %scan3A_34 to %scan3A_36 step %scan3A_37 iter_args(%scan3A_42 = %scan3A_33) -> (i32)  : i32 {
          %mul3A = arith.constant 16 : i32
          %mul3A_43 = arith.muli %scan3A_41, %mul3A : i32
          %get3A = arith.index_cast %mul3A_43 : i32 to index
          %get3A_44 = tpu.vector_load %arg5[%get3A] {strides = array<i32>} : memref<4096xi32, #tpu.memory_space<vmem>>, vector<16xi32>,
          %get3A_45 = arith.index_cast %mul3A_43 : i32 to index
          %get3A_46 = tpu.vector_load %arg4[%get3A_45] {strides = array<i32>} : memref<4096xi32, #tpu.memory_space<vmem>>, vector<16xi32>,
          %add3A = arith.addi %get3A_44, %get3A_46 : vector<16xi32>
          %swap3A = arith.index_cast %mul3A_43 : i32 to index
          %swap3A_47 = tpu.vector_load %arg5[%swap3A] {strides = array<i32>} : memref<4096xi32, #tpu.memory_space<vmem>>, vector<16xi32>,
          tpu.vector_store %arg5[%swap3A], %add3A {strides = array<i32>} : memref<4096xi32, #tpu.memory_space<vmem>>, vector<16xi32>,
          %scan3A_48 = arith.constant 0 : i32
          scf.yield %scan3A_48 : i32
        }
        %scan3A_39 = arith.constant 256 : i32
        %scan3A_40 = arith.constant 0 : i32
        scf.yield %scan3A_40 : i32
      }
      %scan3A_16 = arith.constant 32 : i32
      %scan3A_17 = arith.constant 0 : i32
      %scan3A_18 = arith.constant 0 : i32
      %scan3A_19 = arith.constant 256 : i32
      %scan3A_20 = arith.addi %scan3A_18, %scan3A_19 : i32
      %scan3A_21 = arith.constant 1 : i32
      %scan3A_22 = scf.for %scan3A_31 = %scan3A_18 to %scan3A_20 step %scan3A_21 iter_args(%scan3A_32 = %scan3A_17) -> (i32)  : i32 {
        %mul3A = arith.constant 16 : i32
        %mul3A_33 = arith.muli %scan3A_31, %mul3A : i32
        %get3A = arith.index_cast %mul3A_33 : i32 to index
        %get3A_34 = tpu.vector_load %arg5[%get3A] {strides = array<i32>} : memref<4096xi32, #tpu.memory_space<vmem>>, vector<16xi32>,
        %broadcast_in_dim3A = arith.constant true
        %broadcast_in_dim3A_35 = vector.broadcast %broadcast_in_dim3A : i1 to vector<16xi1>
        %masked_cumsum3A = tpu.scan <sum>, %get3A_34 masked %broadcast_in_dim3A_35 : vector<16xi32>, vector<16xi1> -> vector<16xi32>
        %sub3A = arith.subi %masked_cumsum3A, %get3A_34 : vector<16xi32>
        %add3A = vector.broadcast %scan3A_32 : i32 to vector<16xi32>
        %add3A_36 = arith.addi %sub3A, %add3A : vector<16xi32>
        %swap3A = arith.index_cast %mul3A_33 : i32 to index
        %swap3A_37 = tpu.vector_load %arg5[%swap3A] {strides = array<i32>} : memref<4096xi32, #tpu.memory_space<vmem>>, vector<16xi32>,
        tpu.vector_store %arg5[%swap3A], %add3A_36 {strides = array<i32>} : memref<4096xi32, #tpu.memory_space<vmem>>, vector<16xi32>,
        %reduce_sum3A = arith.constant true
        %reduce_sum3A_38 = vector.broadcast %reduce_sum3A : i1 to vector<16xi1>
        %reduce_sum3A_39 = tpu.scan <sum>, %get3A_34 masked %reduce_sum3A_38 : vector<16xi32>, vector<16xi1> -> vector<16xi32>
        %reduce_sum3A_40 = vector.extract %reduce_sum3A_39[15] : i32 from vector<16xi32>
        %add3A_41 = arith.addi %scan3A_32, %reduce_sum3A_40 : i32
        scf.yield %add3A_41 : i32
      }
      %scan3A_23 = arith.constant 256 : i32
      %scan3A_24 = arith.constant 0 : i32
      %scan3A_25 = arith.constant 0 : i32
      %scan3A_26 = arith.constant 32 : i32
      %scan3A_27 = arith.addi %scan3A_25, %scan3A_26 : i32
      %scan3A_28 = arith.constant 1 : i32
      %scan3A_29 = scf.for %scan3A_31 = %scan3A_25 to %scan3A_27 step %scan3A_28 iter_args(%scan3A_32 = %scan3A_24) -> (i32)  : i32 {
        "tpu.region"() ({
          %run_scoped3A = tpu.sem_alloc : memref<!tpu.dma_semaphore, #tpu.memory_space<semaphore_mem>>
          %dma_start3A = arith.constant 0 : i32
          %dma_start3A_41 = tpu.memref_slice %arg3[%scan3A_31, %dma_start3A] : memref<32x4096xi32, #tpu.memory_space<hbm>> -> memref<1x4096xi32, #tpu.memory_space<hbm>>
          %dma_start3A_42 = tpu.memref_squeeze %dma_start3A_41 : memref<1x4096xi32, #tpu.memory_space<hbm>> -> memref<4096xi32, #tpu.memory_space<hbm>>
          %dma_start3A_43 = arith.constant 0 : i32
          %dma_start3A_44 = tpu.memref_slice %arg3[%scan3A_31, %dma_start3A_43] : memref<32x4096xi32, #tpu.memory_space<hbm>> -> memref<1x4096xi32, #tpu.memory_space<hbm>>
          %dma_start3A_45 = tpu.memref_squeeze %dma_start3A_44 : memref<1x4096xi32, #tpu.memory_space<hbm>> -> memref<4096xi32, #tpu.memory_space<hbm>>
          tpu.enqueue_dma source(%arg5 : memref<4096xi32, #tpu.memory_space<vmem>>) target(%dma_start3A_45 : memref<4096xi32, #tpu.memory_space<hbm>>) target_semaphore(%run_scoped3A : memref<!tpu.dma_semaphore, #tpu.memory_space<semaphore_mem>>)
          %dma_wait3A = arith.constant 0 : i32
          %dma_wait3A_46 = tpu.memref_slice %arg3[%scan3A_31, %dma_wait3A] : memref<32x4096xi32, #tpu.memory_space<hbm>> -> memref<1x4096xi32, #tpu.memory_space<hbm>>
          %dma_wait3A_47 = tpu.memref_squeeze %dma_wait3A_46 : memref<1x4096xi32, #tpu.memory_space<hbm>> -> memref<4096xi32, #tpu.memory_space<hbm>>
          %dma_wait3A_48 = arith.constant 0 : i32
          %dma_wait3A_49 = tpu.memref_slice %arg3[%scan3A_31, %dma_wait3A_48] : memref<32x4096xi32, #tpu.memory_space<hbm>> -> memref<1x4096xi32, #tpu.memory_space<hbm>>
          %dma_wait3A_50 = tpu.memref_squeeze %dma_wait3A_49 : memref<1x4096xi32, #tpu.memory_space<hbm>> -> memref<4096xi32, #tpu.memory_space<hbm>>
          tpu.wait_dma2 semaphore(%run_scoped3A : memref<!tpu.dma_semaphore, #tpu.memory_space<semaphore_mem>>) src(%arg5 : memref<4096xi32, #tpu.memory_space<vmem>>) dst(%dma_wait3A_50 : memref<4096xi32, #tpu.memory_space<hbm>>)
          tpu.yield
        }) : () -> ()
        "tpu.region"() ({
          %run_scoped3A = tpu.sem_alloc : memref<!tpu.dma_semaphore, #tpu.memory_space<semaphore_mem>>
          %dma_start3A = arith.constant 0 : i32
          %dma_start3A_41 = tpu.memref_slice %arg2[%scan3A_31, %dma_start3A] : memref<32x4096xi32, #tpu.memory_space<hbm>> -> memref<1x4096xi32, #tpu.memory_space<hbm>>
          %dma_start3A_42 = tpu.memref_squeeze %dma_start3A_41 : memref<1x4096xi32, #tpu.memory_space<hbm>> -> memref<4096xi32, #tpu.memory_space<hbm>>
          %dma_start3A_43 = arith.constant 0 : i32
          %dma_start3A_44 = tpu.memref_slice %arg2[%scan3A_31, %dma_start3A_43] : memref<32x4096xi32, #tpu.memory_space<hbm>> -> memref<1x4096xi32, #tpu.memory_space<hbm>>
          %dma_start3A_45 = tpu.memref_squeeze %dma_start3A_44 : memref<1x4096xi32, #tpu.memory_space<hbm>> -> memref<4096xi32, #tpu.memory_space<hbm>>
          tpu.enqueue_dma source(%dma_start3A_45 : memref<4096xi32, #tpu.memory_space<hbm>>) target(%arg4 : memref<4096xi32, #tpu.memory_space<vmem>>) target_semaphore(%run_scoped3A : memref<!tpu.dma_semaphore, #tpu.memory_space<semaphore_mem>>)
          %dma_wait3A = arith.constant 0 : i32
          %dma_wait3A_46 = tpu.memref_slice %arg2[%scan3A_31, %dma_wait3A] : memref<32x4096xi32, #tpu.memory_space<hbm>> -> memref<1x4096xi32, #tpu.memory_space<hbm>>
          %dma_wait3A_47 = tpu.memref_squeeze %dma_wait3A_46 : memref<1x4096xi32, #tpu.memory_space<hbm>> -> memref<4096xi32, #tpu.memory_space<hbm>>
          %dma_wait3A_48 = arith.constant 0 : i32
          %dma_wait3A_49 = tpu.memref_slice %arg2[%scan3A_31, %dma_wait3A_48] : memref<32x4096xi32, #tpu.memory_space<hbm>> -> memref<1x4096xi32, #tpu.memory_space<hbm>>
          %dma_wait3A_50 = tpu.memref_squeeze %dma_wait3A_49 : memref<1x4096xi32, #tpu.memory_space<hbm>> -> memref<4096xi32, #tpu.memory_space<hbm>>
          tpu.wait_dma2 semaphore(%run_scoped3A : memref<!tpu.dma_semaphore, #tpu.memory_space<semaphore_mem>>) src(%dma_wait3A_50 : memref<4096xi32, #tpu.memory_space<hbm>>) dst(%arg4 : memref<4096xi32, #tpu.memory_space<vmem>>)
          tpu.yield
        }) : () -> ()
        %scan3A_33 = arith.constant 0 : i32
        %scan3A_34 = arith.constant 0 : i32
        %scan3A_35 = arith.constant 256 : i32
        %scan3A_36 = arith.addi %scan3A_34, %scan3A_35 : i32
        %scan3A_37 = arith.constant 1 : i32
        %scan3A_38 = scf.for %scan3A_41 = %scan3A_34 to %scan3A_36 step %scan3A_37 iter_args(%scan3A_42 = %scan3A_33) -> (i32)  : i32 {
          %mul3A = arith.constant 16 : i32
          %mul3A_43 = arith.muli %scan3A_41, %mul3A : i32
          %get3A = arith.index_cast %mul3A_43 : i32 to index
          %get3A_44 = tpu.vector_load %arg5[%get3A] {strides = array<i32>} : memref<4096xi32, #tpu.memory_space<vmem>>, vector<16xi32>,
          %get3A_45 = arith.index_cast %mul3A_43 : i32 to index
          %get3A_46 = tpu.vector_load %arg4[%get3A_45] {strides = array<i32>} : memref<4096xi32, #tpu.memory_space<vmem>>, vector<16xi32>,
          %add3A = arith.addi %get3A_44, %get3A_46 : vector<16xi32>
          %swap3A = arith.index_cast %mul3A_43 : i32 to index
          %swap3A_47 = tpu.vector_load %arg5[%swap3A] {strides = array<i32>} : memref<4096xi32, #tpu.memory_space<vmem>>, vector<16xi32>,
          tpu.vector_store %arg5[%swap3A], %add3A {strides = array<i32>} : memref<4096xi32, #tpu.memory_space<vmem>>, vector<16xi32>,
          %scan3A_48 = arith.constant 0 : i32
          scf.yield %scan3A_48 : i32
        }
        %scan3A_39 = arith.constant 256 : i32
        %scan3A_40 = arith.constant 0 : i32
        scf.yield %scan3A_40 : i32
      }
      %scan3A_30 = arith.constant 32 : i32
    } else {
    }
    return
  }
}

#map = affine_map<(d0, d1) -> (0)>
#map1 = affine_map<(d0, d1) -> (0, 0)>
module attributes {stable_mosaic.version = 14 : i64} {
  func.func @_perm1_body(%arg0: i32, %arg1: i32, %arg2: memref<1015808xi32, #tpu.memory_space<hbm>>, %arg3: memref<32x4096xi32, #tpu.memory_space<hbm>>, %arg4: memref<1015808xi32, #tpu.memory_space<hbm>>, %arg5: memref<31744xi32, #tpu.memory_space<vmem>>, %arg6: memref<4096xi32, #tpu.memory_space<vmem>>, %arg7: memref<31744xi32, #tpu.memory_space<vmem>>, %arg8: memref<31744xi32, #tpu.memory_space<vmem>>, %arg9: memref<!tpu.dma_semaphore, #tpu.memory_space<semaphore_mem>>) attributes {dimension_semantics = [#tpu.dimension_semantics<core_parallel>, #tpu.dimension_semantics<subcore_parallel>], iteration_bounds = array<i64: 2, 16>, scalar_prefetch = 0 : i64, scratch_operands = 5 : i64, tpu.core_type = #tpu.core_type<sc_vector_subcore>, window_params = [{transform_indices = #map}, {transform_indices = #map1}, {transform_indices = #map}]} {
    %mul3A = arith.constant 16 : i32
    %mul3A_0 = arith.muli %arg0, %mul3A : i32
    %add3A = arith.addi %mul3A_0, %arg1 : i32
    %mul3A_1 = arith.constant 31744 : i32
    %mul3A_2 = arith.muli %add3A, %mul3A_1 : i32
    "tpu.region"() ({
      %run_scoped3A = tpu.sem_alloc : memref<!tpu.dma_semaphore, #tpu.memory_space<semaphore_mem>>
      %dma_start3A_11 = tpu.memref_slice %arg2[%mul3A_2] : memref<1015808xi32, #tpu.memory_space<hbm>> -> memref<31744xi32, #tpu.memory_space<hbm>>
      %dma_start3A_12 = tpu.memref_slice %arg2[%mul3A_2] : memref<1015808xi32, #tpu.memory_space<hbm>> -> memref<31744xi32, #tpu.memory_space<hbm>>
      tpu.enqueue_dma source(%dma_start3A_12 : memref<31744xi32, #tpu.memory_space<hbm>>) target(%arg5 : memref<31744xi32, #tpu.memory_space<vmem>>) target_semaphore(%run_scoped3A : memref<!tpu.dma_semaphore, #tpu.memory_space<semaphore_mem>>)
      %dma_wait3A_13 = tpu.memref_slice %arg2[%mul3A_2] : memref<1015808xi32, #tpu.memory_space<hbm>> -> memref<31744xi32, #tpu.memory_space<hbm>>
      %dma_wait3A_14 = tpu.memref_slice %arg2[%mul3A_2] : memref<1015808xi32, #tpu.memory_space<hbm>> -> memref<31744xi32, #tpu.memory_space<hbm>>
      tpu.wait_dma2 semaphore(%run_scoped3A : memref<!tpu.dma_semaphore, #tpu.memory_space<semaphore_mem>>) src(%dma_wait3A_14 : memref<31744xi32, #tpu.memory_space<hbm>>) dst(%arg5 : memref<31744xi32, #tpu.memory_space<vmem>>)
      tpu.yield
    }) : () -> ()
    "tpu.region"() ({
      %run_scoped3A = tpu.sem_alloc : memref<!tpu.dma_semaphore, #tpu.memory_space<semaphore_mem>>
      %dma_start3A_11 = arith.constant 0 : i32
      %dma_start3A_12 = tpu.memref_slice %arg3[%add3A, %dma_start3A_11] : memref<32x4096xi32, #tpu.memory_space<hbm>> -> memref<1x4096xi32, #tpu.memory_space<hbm>>
      %dma_start3A_13 = tpu.memref_squeeze %dma_start3A_12 : memref<1x4096xi32, #tpu.memory_space<hbm>> -> memref<4096xi32, #tpu.memory_space<hbm>>
      %dma_start3A_14 = arith.constant 0 : i32
      %dma_start3A_15 = tpu.memref_slice %arg3[%add3A, %dma_start3A_14] : memref<32x4096xi32, #tpu.memory_space<hbm>> -> memref<1x4096xi32, #tpu.memory_space<hbm>>
      %dma_start3A_16 = tpu.memref_squeeze %dma_start3A_15 : memref<1x4096xi32, #tpu.memory_space<hbm>> -> memref<4096xi32, #tpu.memory_space<hbm>>
      tpu.enqueue_dma source(%dma_start3A_16 : memref<4096xi32, #tpu.memory_space<hbm>>) target(%arg6 : memref<4096xi32, #tpu.memory_space<vmem>>) target_semaphore(%run_scoped3A : memref<!tpu.dma_semaphore, #tpu.memory_space<semaphore_mem>>)
      %dma_wait3A_17 = arith.constant 0 : i32
      %dma_wait3A_18 = tpu.memref_slice %arg3[%add3A, %dma_wait3A_17] : memref<32x4096xi32, #tpu.memory_space<hbm>> -> memref<1x4096xi32, #tpu.memory_space<hbm>>
      %dma_wait3A_19 = tpu.memref_squeeze %dma_wait3A_18 : memref<1x4096xi32, #tpu.memory_space<hbm>> -> memref<4096xi32, #tpu.memory_space<hbm>>
      %dma_wait3A_20 = arith.constant 0 : i32
      %dma_wait3A_21 = tpu.memref_slice %arg3[%add3A, %dma_wait3A_20] : memref<32x4096xi32, #tpu.memory_space<hbm>> -> memref<1x4096xi32, #tpu.memory_space<hbm>>
      %dma_wait3A_22 = tpu.memref_squeeze %dma_wait3A_21 : memref<1x4096xi32, #tpu.memory_space<hbm>> -> memref<4096xi32, #tpu.memory_space<hbm>>
      tpu.wait_dma2 semaphore(%run_scoped3A : memref<!tpu.dma_semaphore, #tpu.memory_space<semaphore_mem>>) src(%dma_wait3A_22 : memref<4096xi32, #tpu.memory_space<hbm>>) dst(%arg6 : memref<4096xi32, #tpu.memory_space<vmem>>)
      tpu.yield
    }) : () -> ()
    %scan3A = arith.constant 0 : i32
    %scan3A_3 = arith.constant 0 : i32
    %scan3A_4 = arith.constant 1984 : i32
    %scan3A_5 = arith.addi %scan3A_3, %scan3A_4 : i32
    %scan3A_6 = arith.constant 1 : i32
    %scan3A_7 = scf.for %scan3A_11 = %scan3A_3 to %scan3A_5 step %scan3A_6 iter_args(%scan3A_12 = %scan3A) -> (i32)  : i32 {
      %mul3A_13 = arith.constant 16 : i32
      %mul3A_14 = arith.muli %scan3A_11, %mul3A_13 : i32
      %get3A = arith.index_cast %mul3A_14 : i32 to index
      %get3A_15 = tpu.vector_load %arg5[%get3A] {strides = array<i32>} : memref<31744xi32, #tpu.memory_space<vmem>>, vector<16xi32>,
      %and3A = arith.constant 4095 : i32
      %and3A_16 = vector.broadcast %and3A : i32 to vector<16xi32>
      %and3A_17 = arith.andi %get3A_15, %and3A_16 : vector<16xi32>
      %broadcast_in_dim3A = arith.constant true
      %broadcast_in_dim3A_18 = vector.broadcast %broadcast_in_dim3A : i1 to vector<16xi1>
      %unique3A, %unique3A_19 = tpu.scan_count mask(%broadcast_in_dim3A_18 : vector<16xi1>) value(%and3A_17 : vector<16xi32>) : vector<16xi1>, vector<16xi32>
      %gather3A = tpu.vector_load_idx %arg6[%and3A_17] : memref<4096xi32, #tpu.memory_space<vmem>>[vector<16xi32>], vector<16xi32>,
      %add3A_20 = arith.addi %gather3A, %unique3A_19 : vector<16xi32>
      tpu.vector_store_idx %arg6[%and3A_17], %add3A_20 masked %unique3A : memref<4096xi32, #tpu.memory_space<vmem>>[vector<16xi32>], vector<16xi32>, vector<16xi1>
      %add3A_21 = arith.addi %gather3A, %unique3A_19 : vector<16xi32>
      %sub3A = arith.constant 1 : i32
      %sub3A_22 = vector.broadcast %sub3A : i32 to vector<16xi32>
      %sub3A_23 = arith.subi %add3A_21, %sub3A_22 : vector<16xi32>
      %mul3A_24 = arith.constant 16 : i32
      %mul3A_25 = arith.muli %scan3A_11, %mul3A_24 : i32
      %swap3A = arith.index_cast %mul3A_25 : i32 to index
      %swap3A_26 = tpu.vector_load %arg7[%swap3A] {strides = array<i32>} : memref<31744xi32, #tpu.memory_space<vmem>>, vector<16xi32>,
      tpu.vector_store %arg7[%swap3A], %sub3A_23 {strides = array<i32>} : memref<31744xi32, #tpu.memory_space<vmem>>, vector<16xi32>,
      %mul3A_27 = arith.constant 31744 : i32
      %mul3A_28 = arith.muli %add3A, %mul3A_27 : i32
      %mul3A_29 = arith.constant 16 : i32
      %mul3A_30 = arith.muli %scan3A_11, %mul3A_29 : i32
      %add3A_31 = arith.addi %mul3A_28, %mul3A_30 : i32
      %iota3A = tpu.iota {dimensions = array<i32: 0>} : vector<16xi32>
      %add3A_32 = vector.broadcast %add3A_31 : i32 to vector<16xi32>
      %add3A_33 = arith.addi %add3A_32, %iota3A : vector<16xi32>
      %lt3A = arith.constant 1000000 : i32
      %lt3A_34 = vector.broadcast %lt3A : i32 to vector<16xi32>
      %lt3A_35 = arith.cmpi slt, %add3A_33, %lt3A_34 : vector<16xi32>
      %add3A_36 = arith.constant 1 : i32
      %add3A_37 = vector.broadcast %add3A_36 : i32 to vector<16xi32>
      %add3A_38 = arith.addi %add3A_33, %add3A_37 : vector<16xi32>
      %jit3A = arith.constant 0 : i32
      %broadcast_in_dim3A_39 = vector.broadcast %jit3A : i32 to vector<16xi32>
      %select_n3A = arith.select %lt3A_35, %add3A_38, %broadcast_in_dim3A_39 : vector<16xi1>, vector<16xi32>
      %shift_right_arithmetic3A = arith.constant 12 : i32
      %shift_right_arithmetic3A_40 = vector.broadcast %shift_right_arithmetic3A : i32 to vector<16xi32>
      %shift_right_arithmetic3A_41 = arith.shrsi %get3A_15, %shift_right_arithmetic3A_40 : vector<16xi32>
      %shift_left3A = arith.constant 20 : i32
      %shift_left3A_42 = vector.broadcast %shift_left3A : i32 to vector<16xi32>
      %shift_left3A_43 = arith.shli %shift_right_arithmetic3A_41, %shift_left3A_42 : vector<16xi32>
      %or3A = arith.ori %shift_left3A_43, %select_n3A : vector<16xi32>
      %mul3A_44 = arith.constant 16 : i32
      %mul3A_45 = arith.muli %scan3A_11, %mul3A_44 : i32
      %swap3A_46 = arith.index_cast %mul3A_45 : i32 to index
      %swap3A_47 = tpu.vector_load %arg8[%swap3A_46] {strides = array<i32>} : memref<31744xi32, #tpu.memory_space<vmem>>, vector<16xi32>,
      tpu.vector_store %arg8[%swap3A_46], %or3A {strides = array<i32>} : memref<31744xi32, #tpu.memory_space<vmem>>, vector<16xi32>,
      %scan3A_48 = arith.constant 0 : i32
      scf.yield %scan3A_48 : i32
    }
    %scan3A_8 = arith.constant 1984 : i32
    %dma_start3A = arith.constant 0 : i32
    %dma_start3A_9 = tpu.memref_slice %arg4[%dma_start3A] : memref<1015808xi32, #tpu.memory_space<hbm>> -> memref<1015808xi32, #tpu.memory_space<hbm>>
    tpu.enqueue_indirect_dma source(%arg8 : memref<31744xi32, #tpu.memory_space<vmem>>) target(%dma_start3A_9 : memref<1015808xi32, #tpu.memory_space<hbm>>) offsets(%arg7 : memref<31744xi32, #tpu.memory_space<vmem>>) semaphore(%arg9 : memref<!tpu.dma_semaphore, #tpu.memory_space<semaphore_mem>>)
    %dma_wait3A = arith.constant 0 : i32
    %dma_wait3A_10 = tpu.memref_slice %arg4[%dma_wait3A] : memref<1015808xi32, #tpu.memory_space<hbm>> -> memref<1015808xi32, #tpu.memory_space<hbm>>
    tpu.wait_indirect_dma semaphore(%arg9 : memref<!tpu.dma_semaphore, #tpu.memory_space<semaphore_mem>>) src(%arg8 : memref<31744xi32, #tpu.memory_space<vmem>>) dst(%dma_wait3A_10 : memref<1015808xi32, #tpu.memory_space<hbm>>)
    return
  }
}

#map = affine_map<(d0, d1) -> (0, 0)>
module attributes {stable_mosaic.version = 14 : i64} {
  func.func @_scan_body(%arg0: i32, %arg1: i32, %arg2: memref<32x4096xi32, #tpu.memory_space<hbm>>, %arg3: memref<32x4096xi32, #tpu.memory_space<hbm>>, %arg4: memref<4096xi32, #tpu.memory_space<vmem>>, %arg5: memref<4096xi32, #tpu.memory_space<vmem>>) attributes {dimension_semantics = [#tpu.dimension_semantics<core_parallel>, #tpu.dimension_semantics<subcore_parallel>], iteration_bounds = array<i64: 2, 16>, scalar_prefetch = 0 : i64, scratch_operands = 2 : i64, tpu.core_type = #tpu.core_type<sc_vector_subcore>, window_params = [{transform_indices = #map}, {transform_indices = #map}]} {
    %eq3A = arith.constant 0 : i32
    %eq3A_0 = arith.cmpi eq, %arg0, %eq3A : i32
    %eq3A_1 = arith.constant 0 : i32
    %eq3A_2 = arith.cmpi eq, %arg1, %eq3A_1 : i32
    %and3A = arith.andi %eq3A_0, %eq3A_2 : i1
    %convert_element_type3A = arith.extui %and3A : i1 to i32
    %cond3A = arith.constant 0 : i32
    %cond3A_3 = arith.cmpi ne, %convert_element_type3A, %cond3A : i32
    scf.if %cond3A_3 {
      %scan3A = arith.constant 0 : i32
      %scan3A_4 = arith.constant 0 : i32
      %scan3A_5 = arith.constant 256 : i32
      %scan3A_6 = arith.addi %scan3A_4, %scan3A_5 : i32
      %scan3A_7 = arith.constant 1 : i32
      %scan3A_8 = scf.for %scan3A_31 = %scan3A_4 to %scan3A_6 step %scan3A_7 iter_args(%scan3A_32 = %scan3A) -> (i32)  : i32 {
        %broadcast_in_dim3A = arith.constant 0 : i32
        %broadcast_in_dim3A_33 = vector.broadcast %broadcast_in_dim3A : i32 to vector<16xi32>
        %mul3A = arith.constant 16 : i32
        %mul3A_34 = arith.muli %scan3A_31, %mul3A : i32
        %swap3A = arith.index_cast %mul3A_34 : i32 to index
        %swap3A_35 = tpu.vector_load %arg5[%swap3A] {strides = array<i32>} : memref<4096xi32, #tpu.memory_space<vmem>>, vector<16xi32>,
        tpu.vector_store %arg5[%swap3A], %broadcast_in_dim3A_33 {strides = array<i32>} : memref<4096xi32, #tpu.memory_space<vmem>>, vector<16xi32>,
        %scan3A_36 = arith.constant 0 : i32
        scf.yield %scan3A_36 : i32
      }
      %scan3A_9 = arith.constant 256 : i32
      %scan3A_10 = arith.constant 0 : i32
      %scan3A_11 = arith.constant 0 : i32
      %scan3A_12 = arith.constant 32 : i32
      %scan3A_13 = arith.addi %scan3A_11, %scan3A_12 : i32
      %scan3A_14 = arith.constant 1 : i32
      %scan3A_15 = scf.for %scan3A_31 = %scan3A_11 to %scan3A_13 step %scan3A_14 iter_args(%scan3A_32 = %scan3A_10) -> (i32)  : i32 {
        "tpu.region"() ({
          %run_scoped3A = tpu.sem_alloc : memref<!tpu.dma_semaphore, #tpu.memory_space<semaphore_mem>>
          %dma_start3A = arith.constant 0 : i32
          %dma_start3A_41 = tpu.memref_slice %arg2[%scan3A_31, %dma_start3A] : memref<32x4096xi32, #tpu.memory_space<hbm>> -> memref<1x4096xi32, #tpu.memory_space<hbm>>
          %dma_start3A_42 = tpu.memref_squeeze %dma_start3A_41 : memref<1x4096xi32, #tpu.memory_space<hbm>> -> memref<4096xi32, #tpu.memory_space<hbm>>
          %dma_start3A_43 = arith.constant 0 : i32
          %dma_start3A_44 = tpu.memref_slice %arg2[%scan3A_31, %dma_start3A_43] : memref<32x4096xi32, #tpu.memory_space<hbm>> -> memref<1x4096xi32, #tpu.memory_space<hbm>>
          %dma_start3A_45 = tpu.memref_squeeze %dma_start3A_44 : memref<1x4096xi32, #tpu.memory_space<hbm>> -> memref<4096xi32, #tpu.memory_space<hbm>>
          tpu.enqueue_dma source(%dma_start3A_45 : memref<4096xi32, #tpu.memory_space<hbm>>) target(%arg4 : memref<4096xi32, #tpu.memory_space<vmem>>) target_semaphore(%run_scoped3A : memref<!tpu.dma_semaphore, #tpu.memory_space<semaphore_mem>>)
          %dma_wait3A = arith.constant 0 : i32
          %dma_wait3A_46 = tpu.memref_slice %arg2[%scan3A_31, %dma_wait3A] : memref<32x4096xi32, #tpu.memory_space<hbm>> -> memref<1x4096xi32, #tpu.memory_space<hbm>>
          %dma_wait3A_47 = tpu.memref_squeeze %dma_wait3A_46 : memref<1x4096xi32, #tpu.memory_space<hbm>> -> memref<4096xi32, #tpu.memory_space<hbm>>
          %dma_wait3A_48 = arith.constant 0 : i32
          %dma_wait3A_49 = tpu.memref_slice %arg2[%scan3A_31, %dma_wait3A_48] : memref<32x4096xi32, #tpu.memory_space<hbm>> -> memref<1x4096xi32, #tpu.memory_space<hbm>>
          %dma_wait3A_50 = tpu.memref_squeeze %dma_wait3A_49 : memref<1x4096xi32, #tpu.memory_space<hbm>> -> memref<4096xi32, #tpu.memory_space<hbm>>
          tpu.wait_dma2 semaphore(%run_scoped3A : memref<!tpu.dma_semaphore, #tpu.memory_space<semaphore_mem>>) src(%dma_wait3A_50 : memref<4096xi32, #tpu.memory_space<hbm>>) dst(%arg4 : memref<4096xi32, #tpu.memory_space<vmem>>)
          tpu.yield
        }) : () -> ()
        %scan3A_33 = arith.constant 0 : i32
        %scan3A_34 = arith.constant 0 : i32
        %scan3A_35 = arith.constant 256 : i32
        %scan3A_36 = arith.addi %scan3A_34, %scan3A_35 : i32
        %scan3A_37 = arith.constant 1 : i32
        %scan3A_38 = scf.for %scan3A_41 = %scan3A_34 to %scan3A_36 step %scan3A_37 iter_args(%scan3A_42 = %scan3A_33) -> (i32)  : i32 {
          %mul3A = arith.constant 16 : i32
          %mul3A_43 = arith.muli %scan3A_41, %mul3A : i32
          %get3A = arith.index_cast %mul3A_43 : i32 to index
          %get3A_44 = tpu.vector_load %arg5[%get3A] {strides = array<i32>} : memref<4096xi32, #tpu.memory_space<vmem>>, vector<16xi32>,
          %get3A_45 = arith.index_cast %mul3A_43 : i32 to index
          %get3A_46 = tpu.vector_load %arg4[%get3A_45] {strides = array<i32>} : memref<4096xi32, #tpu.memory_space<vmem>>, vector<16xi32>,
          %add3A = arith.addi %get3A_44, %get3A_46 : vector<16xi32>
          %swap3A = arith.index_cast %mul3A_43 : i32 to index
          %swap3A_47 = tpu.vector_load %arg5[%swap3A] {strides = array<i32>} : memref<4096xi32, #tpu.memory_space<vmem>>, vector<16xi32>,
          tpu.vector_store %arg5[%swap3A], %add3A {strides = array<i32>} : memref<4096xi32, #tpu.memory_space<vmem>>, vector<16xi32>,
          %scan3A_48 = arith.constant 0 : i32
          scf.yield %scan3A_48 : i32
        }
        %scan3A_39 = arith.constant 256 : i32
        %scan3A_40 = arith.constant 0 : i32
        scf.yield %scan3A_40 : i32
      }
      %scan3A_16 = arith.constant 32 : i32
      %scan3A_17 = arith.constant 0 : i32
      %scan3A_18 = arith.constant 0 : i32
      %scan3A_19 = arith.constant 256 : i32
      %scan3A_20 = arith.addi %scan3A_18, %scan3A_19 : i32
      %scan3A_21 = arith.constant 1 : i32
      %scan3A_22 = scf.for %scan3A_31 = %scan3A_18 to %scan3A_20 step %scan3A_21 iter_args(%scan3A_32 = %scan3A_17) -> (i32)  : i32 {
        %mul3A = arith.constant 16 : i32
        %mul3A_33 = arith.muli %scan3A_31, %mul3A : i32
        %get3A = arith.index_cast %mul3A_33 : i32 to index
        %get3A_34 = tpu.vector_load %arg5[%get3A] {strides = array<i32>} : memref<4096xi32, #tpu.memory_space<vmem>>, vector<16xi32>,
        %broadcast_in_dim3A = arith.constant true
        %broadcast_in_dim3A_35 = vector.broadcast %broadcast_in_dim3A : i1 to vector<16xi1>
        %masked_cumsum3A = tpu.scan <sum>, %get3A_34 masked %broadcast_in_dim3A_35 : vector<16xi32>, vector<16xi1> -> vector<16xi32>
        %sub3A = arith.subi %masked_cumsum3A, %get3A_34 : vector<16xi32>
        %add3A = vector.broadcast %scan3A_32 : i32 to vector<16xi32>
        %add3A_36 = arith.addi %sub3A, %add3A : vector<16xi32>
        %swap3A = arith.index_cast %mul3A_33 : i32 to index
        %swap3A_37 = tpu.vector_load %arg5[%swap3A] {strides = array<i32>} : memref<4096xi32, #tpu.memory_space<vmem>>, vector<16xi32>,
        tpu.vector_store %arg5[%swap3A], %add3A_36 {strides = array<i32>} : memref<4096xi32, #tpu.memory_space<vmem>>, vector<16xi32>,
        %reduce_sum3A = arith.constant true
        %reduce_sum3A_38 = vector.broadcast %reduce_sum3A : i1 to vector<16xi1>
        %reduce_sum3A_39 = tpu.scan <sum>, %get3A_34 masked %reduce_sum3A_38 : vector<16xi32>, vector<16xi1> -> vector<16xi32>
        %reduce_sum3A_40 = vector.extract %reduce_sum3A_39[15] : i32 from vector<16xi32>
        %add3A_41 = arith.addi %scan3A_32, %reduce_sum3A_40 : i32
        scf.yield %add3A_41 : i32
      }
      %scan3A_23 = arith.constant 256 : i32
      %scan3A_24 = arith.constant 0 : i32
      %scan3A_25 = arith.constant 0 : i32
      %scan3A_26 = arith.constant 32 : i32
      %scan3A_27 = arith.addi %scan3A_25, %scan3A_26 : i32
      %scan3A_28 = arith.constant 1 : i32
      %scan3A_29 = scf.for %scan3A_31 = %scan3A_25 to %scan3A_27 step %scan3A_28 iter_args(%scan3A_32 = %scan3A_24) -> (i32)  : i32 {
        "tpu.region"() ({
          %run_scoped3A = tpu.sem_alloc : memref<!tpu.dma_semaphore, #tpu.memory_space<semaphore_mem>>
          %dma_start3A = arith.constant 0 : i32
          %dma_start3A_41 = tpu.memref_slice %arg3[%scan3A_31, %dma_start3A] : memref<32x4096xi32, #tpu.memory_space<hbm>> -> memref<1x4096xi32, #tpu.memory_space<hbm>>
          %dma_start3A_42 = tpu.memref_squeeze %dma_start3A_41 : memref<1x4096xi32, #tpu.memory_space<hbm>> -> memref<4096xi32, #tpu.memory_space<hbm>>
          %dma_start3A_43 = arith.constant 0 : i32
          %dma_start3A_44 = tpu.memref_slice %arg3[%scan3A_31, %dma_start3A_43] : memref<32x4096xi32, #tpu.memory_space<hbm>> -> memref<1x4096xi32, #tpu.memory_space<hbm>>
          %dma_start3A_45 = tpu.memref_squeeze %dma_start3A_44 : memref<1x4096xi32, #tpu.memory_space<hbm>> -> memref<4096xi32, #tpu.memory_space<hbm>>
          tpu.enqueue_dma source(%arg5 : memref<4096xi32, #tpu.memory_space<vmem>>) target(%dma_start3A_45 : memref<4096xi32, #tpu.memory_space<hbm>>) target_semaphore(%run_scoped3A : memref<!tpu.dma_semaphore, #tpu.memory_space<semaphore_mem>>)
          %dma_wait3A = arith.constant 0 : i32
          %dma_wait3A_46 = tpu.memref_slice %arg3[%scan3A_31, %dma_wait3A] : memref<32x4096xi32, #tpu.memory_space<hbm>> -> memref<1x4096xi32, #tpu.memory_space<hbm>>
          %dma_wait3A_47 = tpu.memref_squeeze %dma_wait3A_46 : memref<1x4096xi32, #tpu.memory_space<hbm>> -> memref<4096xi32, #tpu.memory_space<hbm>>
          %dma_wait3A_48 = arith.constant 0 : i32
          %dma_wait3A_49 = tpu.memref_slice %arg3[%scan3A_31, %dma_wait3A_48] : memref<32x4096xi32, #tpu.memory_space<hbm>> -> memref<1x4096xi32, #tpu.memory_space<hbm>>
          %dma_wait3A_50 = tpu.memref_squeeze %dma_wait3A_49 : memref<1x4096xi32, #tpu.memory_space<hbm>> -> memref<4096xi32, #tpu.memory_space<hbm>>
          tpu.wait_dma2 semaphore(%run_scoped3A : memref<!tpu.dma_semaphore, #tpu.memory_space<semaphore_mem>>) src(%arg5 : memref<4096xi32, #tpu.memory_space<vmem>>) dst(%dma_wait3A_50 : memref<4096xi32, #tpu.memory_space<hbm>>)
          tpu.yield
        }) : () -> ()
        "tpu.region"() ({
          %run_scoped3A = tpu.sem_alloc : memref<!tpu.dma_semaphore, #tpu.memory_space<semaphore_mem>>
          %dma_start3A = arith.constant 0 : i32
          %dma_start3A_41 = tpu.memref_slice %arg2[%scan3A_31, %dma_start3A] : memref<32x4096xi32, #tpu.memory_space<hbm>> -> memref<1x4096xi32, #tpu.memory_space<hbm>>
          %dma_start3A_42 = tpu.memref_squeeze %dma_start3A_41 : memref<1x4096xi32, #tpu.memory_space<hbm>> -> memref<4096xi32, #tpu.memory_space<hbm>>
          %dma_start3A_43 = arith.constant 0 : i32
          %dma_start3A_44 = tpu.memref_slice %arg2[%scan3A_31, %dma_start3A_43] : memref<32x4096xi32, #tpu.memory_space<hbm>> -> memref<1x4096xi32, #tpu.memory_space<hbm>>
          %dma_start3A_45 = tpu.memref_squeeze %dma_start3A_44 : memref<1x4096xi32, #tpu.memory_space<hbm>> -> memref<4096xi32, #tpu.memory_space<hbm>>
          tpu.enqueue_dma source(%dma_start3A_45 : memref<4096xi32, #tpu.memory_space<hbm>>) target(%arg4 : memref<4096xi32, #tpu.memory_space<vmem>>) target_semaphore(%run_scoped3A : memref<!tpu.dma_semaphore, #tpu.memory_space<semaphore_mem>>)
          %dma_wait3A = arith.constant 0 : i32
          %dma_wait3A_46 = tpu.memref_slice %arg2[%scan3A_31, %dma_wait3A] : memref<32x4096xi32, #tpu.memory_space<hbm>> -> memref<1x4096xi32, #tpu.memory_space<hbm>>
          %dma_wait3A_47 = tpu.memref_squeeze %dma_wait3A_46 : memref<1x4096xi32, #tpu.memory_space<hbm>> -> memref<4096xi32, #tpu.memory_space<hbm>>
          %dma_wait3A_48 = arith.constant 0 : i32
          %dma_wait3A_49 = tpu.memref_slice %arg2[%scan3A_31, %dma_wait3A_48] : memref<32x4096xi32, #tpu.memory_space<hbm>> -> memref<1x4096xi32, #tpu.memory_space<hbm>>
          %dma_wait3A_50 = tpu.memref_squeeze %dma_wait3A_49 : memref<1x4096xi32, #tpu.memory_space<hbm>> -> memref<4096xi32, #tpu.memory_space<hbm>>
          tpu.wait_dma2 semaphore(%run_scoped3A : memref<!tpu.dma_semaphore, #tpu.memory_space<semaphore_mem>>) src(%dma_wait3A_50 : memref<4096xi32, #tpu.memory_space<hbm>>) dst(%arg4 : memref<4096xi32, #tpu.memory_space<vmem>>)
          tpu.yield
        }) : () -> ()
        %scan3A_33 = arith.constant 0 : i32
        %scan3A_34 = arith.constant 0 : i32
        %scan3A_35 = arith.constant 256 : i32
        %scan3A_36 = arith.addi %scan3A_34, %scan3A_35 : i32
        %scan3A_37 = arith.constant 1 : i32
        %scan3A_38 = scf.for %scan3A_41 = %scan3A_34 to %scan3A_36 step %scan3A_37 iter_args(%scan3A_42 = %scan3A_33) -> (i32)  : i32 {
          %mul3A = arith.constant 16 : i32
          %mul3A_43 = arith.muli %scan3A_41, %mul3A : i32
          %get3A = arith.index_cast %mul3A_43 : i32 to index
          %get3A_44 = tpu.vector_load %arg5[%get3A] {strides = array<i32>} : memref<4096xi32, #tpu.memory_space<vmem>>, vector<16xi32>,
          %get3A_45 = arith.index_cast %mul3A_43 : i32 to index
          %get3A_46 = tpu.vector_load %arg4[%get3A_45] {strides = array<i32>} : memref<4096xi32, #tpu.memory_space<vmem>>, vector<16xi32>,
          %add3A = arith.addi %get3A_44, %get3A_46 : vector<16xi32>
          %swap3A = arith.index_cast %mul3A_43 : i32 to index
          %swap3A_47 = tpu.vector_load %arg5[%swap3A] {strides = array<i32>} : memref<4096xi32, #tpu.memory_space<vmem>>, vector<16xi32>,
          tpu.vector_store %arg5[%swap3A], %add3A {strides = array<i32>} : memref<4096xi32, #tpu.memory_space<vmem>>, vector<16xi32>,
          %scan3A_48 = arith.constant 0 : i32
          scf.yield %scan3A_48 : i32
        }
        %scan3A_39 = arith.constant 256 : i32
        %scan3A_40 = arith.constant 0 : i32
        scf.yield %scan3A_40 : i32
      }
      %scan3A_30 = arith.constant 32 : i32
    } else {
    }
    return
  }
}

#map = affine_map<(d0, d1) -> (0)>
#map1 = affine_map<(d0, d1) -> (0, 0)>
module attributes {stable_mosaic.version = 14 : i64} {
  func.func @_perm2_body(%arg0: i32, %arg1: i32, %arg2: memref<1015808xi32, #tpu.memory_space<hbm>>, %arg3: memref<32x4096xi32, #tpu.memory_space<hbm>>, %arg4: memref<1015808xi32, #tpu.memory_space<hbm>>, %arg5: memref<31744xi32, #tpu.memory_space<vmem>>, %arg6: memref<4096xi32, #tpu.memory_space<vmem>>, %arg7: memref<31744xi32, #tpu.memory_space<vmem>>, %arg8: memref<31744xi32, #tpu.memory_space<vmem>>, %arg9: memref<!tpu.dma_semaphore, #tpu.memory_space<semaphore_mem>>) attributes {dimension_semantics = [#tpu.dimension_semantics<core_parallel>, #tpu.dimension_semantics<subcore_parallel>], iteration_bounds = array<i64: 2, 16>, scalar_prefetch = 0 : i64, scratch_operands = 5 : i64, tpu.core_type = #tpu.core_type<sc_vector_subcore>, window_params = [{transform_indices = #map}, {transform_indices = #map1}, {transform_indices = #map}]} {
    %mul3A = arith.constant 16 : i32
    %mul3A_0 = arith.muli %arg0, %mul3A : i32
    %add3A = arith.addi %mul3A_0, %arg1 : i32
    %mul3A_1 = arith.constant 31744 : i32
    %mul3A_2 = arith.muli %add3A, %mul3A_1 : i32
    "tpu.region"() ({
      %run_scoped3A = tpu.sem_alloc : memref<!tpu.dma_semaphore, #tpu.memory_space<semaphore_mem>>
      %dma_start3A_11 = tpu.memref_slice %arg2[%mul3A_2] : memref<1015808xi32, #tpu.memory_space<hbm>> -> memref<31744xi32, #tpu.memory_space<hbm>>
      %dma_start3A_12 = tpu.memref_slice %arg2[%mul3A_2] : memref<1015808xi32, #tpu.memory_space<hbm>> -> memref<31744xi32, #tpu.memory_space<hbm>>
      tpu.enqueue_dma source(%dma_start3A_12 : memref<31744xi32, #tpu.memory_space<hbm>>) target(%arg5 : memref<31744xi32, #tpu.memory_space<vmem>>) target_semaphore(%run_scoped3A : memref<!tpu.dma_semaphore, #tpu.memory_space<semaphore_mem>>)
      %dma_wait3A_13 = tpu.memref_slice %arg2[%mul3A_2] : memref<1015808xi32, #tpu.memory_space<hbm>> -> memref<31744xi32, #tpu.memory_space<hbm>>
      %dma_wait3A_14 = tpu.memref_slice %arg2[%mul3A_2] : memref<1015808xi32, #tpu.memory_space<hbm>> -> memref<31744xi32, #tpu.memory_space<hbm>>
      tpu.wait_dma2 semaphore(%run_scoped3A : memref<!tpu.dma_semaphore, #tpu.memory_space<semaphore_mem>>) src(%dma_wait3A_14 : memref<31744xi32, #tpu.memory_space<hbm>>) dst(%arg5 : memref<31744xi32, #tpu.memory_space<vmem>>)
      tpu.yield
    }) : () -> ()
    "tpu.region"() ({
      %run_scoped3A = tpu.sem_alloc : memref<!tpu.dma_semaphore, #tpu.memory_space<semaphore_mem>>
      %dma_start3A_11 = arith.constant 0 : i32
      %dma_start3A_12 = tpu.memref_slice %arg3[%add3A, %dma_start3A_11] : memref<32x4096xi32, #tpu.memory_space<hbm>> -> memref<1x4096xi32, #tpu.memory_space<hbm>>
      %dma_start3A_13 = tpu.memref_squeeze %dma_start3A_12 : memref<1x4096xi32, #tpu.memory_space<hbm>> -> memref<4096xi32, #tpu.memory_space<hbm>>
      %dma_start3A_14 = arith.constant 0 : i32
      %dma_start3A_15 = tpu.memref_slice %arg3[%add3A, %dma_start3A_14] : memref<32x4096xi32, #tpu.memory_space<hbm>> -> memref<1x4096xi32, #tpu.memory_space<hbm>>
      %dma_start3A_16 = tpu.memref_squeeze %dma_start3A_15 : memref<1x4096xi32, #tpu.memory_space<hbm>> -> memref<4096xi32, #tpu.memory_space<hbm>>
      tpu.enqueue_dma source(%dma_start3A_16 : memref<4096xi32, #tpu.memory_space<hbm>>) target(%arg6 : memref<4096xi32, #tpu.memory_space<vmem>>) target_semaphore(%run_scoped3A : memref<!tpu.dma_semaphore, #tpu.memory_space<semaphore_mem>>)
      %dma_wait3A_17 = arith.constant 0 : i32
      %dma_wait3A_18 = tpu.memref_slice %arg3[%add3A, %dma_wait3A_17] : memref<32x4096xi32, #tpu.memory_space<hbm>> -> memref<1x4096xi32, #tpu.memory_space<hbm>>
      %dma_wait3A_19 = tpu.memref_squeeze %dma_wait3A_18 : memref<1x4096xi32, #tpu.memory_space<hbm>> -> memref<4096xi32, #tpu.memory_space<hbm>>
      %dma_wait3A_20 = arith.constant 0 : i32
      %dma_wait3A_21 = tpu.memref_slice %arg3[%add3A, %dma_wait3A_20] : memref<32x4096xi32, #tpu.memory_space<hbm>> -> memref<1x4096xi32, #tpu.memory_space<hbm>>
      %dma_wait3A_22 = tpu.memref_squeeze %dma_wait3A_21 : memref<1x4096xi32, #tpu.memory_space<hbm>> -> memref<4096xi32, #tpu.memory_space<hbm>>
      tpu.wait_dma2 semaphore(%run_scoped3A : memref<!tpu.dma_semaphore, #tpu.memory_space<semaphore_mem>>) src(%dma_wait3A_22 : memref<4096xi32, #tpu.memory_space<hbm>>) dst(%arg6 : memref<4096xi32, #tpu.memory_space<vmem>>)
      tpu.yield
    }) : () -> ()
    %scan3A = arith.constant 0 : i32
    %scan3A_3 = arith.constant 0 : i32
    %scan3A_4 = arith.constant 1984 : i32
    %scan3A_5 = arith.addi %scan3A_3, %scan3A_4 : i32
    %scan3A_6 = arith.constant 1 : i32
    %scan3A_7 = scf.for %scan3A_11 = %scan3A_3 to %scan3A_5 step %scan3A_6 iter_args(%scan3A_12 = %scan3A) -> (i32)  : i32 {
      %mul3A_13 = arith.constant 16 : i32
      %mul3A_14 = arith.muli %scan3A_11, %mul3A_13 : i32
      %get3A = arith.index_cast %mul3A_14 : i32 to index
      %get3A_15 = tpu.vector_load %arg5[%get3A] {strides = array<i32>} : memref<31744xi32, #tpu.memory_space<vmem>>, vector<16xi32>,
      %shift_right_arithmetic3A = arith.constant 20 : i32
      %shift_right_arithmetic3A_16 = vector.broadcast %shift_right_arithmetic3A : i32 to vector<16xi32>
      %shift_right_arithmetic3A_17 = arith.shrsi %get3A_15, %shift_right_arithmetic3A_16 : vector<16xi32>
      %and3A = arith.constant 4095 : i32
      %and3A_18 = vector.broadcast %and3A : i32 to vector<16xi32>
      %and3A_19 = arith.andi %shift_right_arithmetic3A_17, %and3A_18 : vector<16xi32>
      %broadcast_in_dim3A = arith.constant true
      %broadcast_in_dim3A_20 = vector.broadcast %broadcast_in_dim3A : i1 to vector<16xi1>
      %unique3A, %unique3A_21 = tpu.scan_count mask(%broadcast_in_dim3A_20 : vector<16xi1>) value(%and3A_19 : vector<16xi32>) : vector<16xi1>, vector<16xi32>
      %gather3A = tpu.vector_load_idx %arg6[%and3A_19] : memref<4096xi32, #tpu.memory_space<vmem>>[vector<16xi32>], vector<16xi32>,
      %add3A_22 = arith.addi %gather3A, %unique3A_21 : vector<16xi32>
      tpu.vector_store_idx %arg6[%and3A_19], %add3A_22 masked %unique3A : memref<4096xi32, #tpu.memory_space<vmem>>[vector<16xi32>], vector<16xi32>, vector<16xi1>
      %add3A_23 = arith.addi %gather3A, %unique3A_21 : vector<16xi32>
      %sub3A = arith.constant 1 : i32
      %sub3A_24 = vector.broadcast %sub3A : i32 to vector<16xi32>
      %sub3A_25 = arith.subi %add3A_23, %sub3A_24 : vector<16xi32>
      %mul3A_26 = arith.constant 16 : i32
      %mul3A_27 = arith.muli %scan3A_11, %mul3A_26 : i32
      %swap3A = arith.index_cast %mul3A_27 : i32 to index
      %swap3A_28 = tpu.vector_load %arg7[%swap3A] {strides = array<i32>} : memref<31744xi32, #tpu.memory_space<vmem>>, vector<16xi32>,
      tpu.vector_store %arg7[%swap3A], %sub3A_25 {strides = array<i32>} : memref<31744xi32, #tpu.memory_space<vmem>>, vector<16xi32>,
      %and3A_29 = arith.constant 1048575 : i32
      %and3A_30 = vector.broadcast %and3A_29 : i32 to vector<16xi32>
      %and3A_31 = arith.andi %get3A_15, %and3A_30 : vector<16xi32>
      %sub3A_32 = arith.constant 1 : i32
      %sub3A_33 = vector.broadcast %sub3A_32 : i32 to vector<16xi32>
      %sub3A_34 = arith.subi %and3A_31, %sub3A_33 : vector<16xi32>
      %mul3A_35 = arith.constant 16 : i32
      %mul3A_36 = arith.muli %scan3A_11, %mul3A_35 : i32
      %swap3A_37 = arith.index_cast %mul3A_36 : i32 to index
      %swap3A_38 = tpu.vector_load %arg8[%swap3A_37] {strides = array<i32>} : memref<31744xi32, #tpu.memory_space<vmem>>, vector<16xi32>,
      tpu.vector_store %arg8[%swap3A_37], %sub3A_34 {strides = array<i32>} : memref<31744xi32, #tpu.memory_space<vmem>>, vector<16xi32>,
      %scan3A_39 = arith.constant 0 : i32
      scf.yield %scan3A_39 : i32
    }
    %scan3A_8 = arith.constant 1984 : i32
    %dma_start3A = arith.constant 0 : i32
    %dma_start3A_9 = tpu.memref_slice %arg4[%dma_start3A] : memref<1015808xi32, #tpu.memory_space<hbm>> -> memref<1015808xi32, #tpu.memory_space<hbm>>
    tpu.enqueue_indirect_dma source(%arg8 : memref<31744xi32, #tpu.memory_space<vmem>>) target(%dma_start3A_9 : memref<1015808xi32, #tpu.memory_space<hbm>>) offsets(%arg7 : memref<31744xi32, #tpu.memory_space<vmem>>) semaphore(%arg9 : memref<!tpu.dma_semaphore, #tpu.memory_space<semaphore_mem>>)
    %dma_wait3A = arith.constant 0 : i32
    %dma_wait3A_10 = tpu.memref_slice %arg4[%dma_wait3A] : memref<1015808xi32, #tpu.memory_space<hbm>> -> memref<1015808xi32, #tpu.memory_space<hbm>>
    tpu.wait_indirect_dma semaphore(%arg9 : memref<!tpu.dma_semaphore, #tpu.memory_space<semaphore_mem>>) src(%arg8 : memref<31744xi32, #tpu.memory_space<vmem>>) dst(%dma_wait3A_10 : memref<1015808xi32, #tpu.memory_space<hbm>>)
    return
  }
}

module attributes {stable_mosaic.version = 14 : i64} {
  func.func @_keys_body(%arg0: i32, %arg1: memref<2xi32, #tpu.memory_space<smem>>, %arg2: memref<992x128xi32, #tpu.memory_space<vmem>>) attributes {dimension_semantics = [#tpu.dimension_semantics<arbitrary>], iteration_bounds = array<i64: 8>, scalar_prefetch = 0 : i64, scratch_operands = 0 : i64, tpu.core_type = #tpu.core_type<tc>, window_params = [{transform_indices = @transform_0, window_bounds = array<i64: 2>}, {transform_indices = @transform_1, window_bounds = array<i64: 992, 128>}]} {
    %get3A = arith.constant 0 : index
    %get3A_0 = memref.load %arg1[%get3A] : memref<2xi32, #tpu.memory_space<smem>>
    %get3A_1 = arith.constant 1 : index
    %get3A_2 = memref.load %arg1[%get3A_1] : memref<2xi32, #tpu.memory_space<smem>>
    %xor3A = arith.xori %get3A_0, %get3A_2 : i32
    %xor3A_3 = arith.constant 466688986 : i32
    %xor3A_4 = arith.xori %xor3A, %xor3A_3 : i32
    %iota3A = tpu.iota {dimensions = array<i32: 0>} : vector<992x128xi32>
    %iota3A_5 = tpu.iota {dimensions = array<i32: 1>} : vector<992x128xi32>
    %mul3A = arith.constant 992 : i32
    %mul3A_6 = arith.muli %mul3A, %arg0 : i32
    %add3A = vector.broadcast %mul3A_6 : i32 to vector<992x128xi32>
    %add3A_7 = arith.addi %iota3A, %add3A : vector<992x128xi32>
    %mul3A_8 = arith.constant 128 : i32
    %mul3A_9 = vector.broadcast %mul3A_8 : i32 to vector<992x128xi32>
    %mul3A_10 = arith.muli %add3A_7, %mul3A_9 : vector<992x128xi32>
    %add3A_11 = arith.addi %mul3A_10, %iota3A_5 : vector<992x128xi32>
    %broadcast_in_dim3A = arith.constant 0 : i32
    %broadcast_in_dim3A_12 = vector.broadcast %broadcast_in_dim3A : i32 to vector<992x128xi32>
    %add3A_13 = vector.broadcast %get3A_0 : i32 to vector<992x128xi32>
    %add3A_14 = arith.addi %broadcast_in_dim3A_12, %add3A_13 : vector<992x128xi32>
    %add3A_15 = vector.broadcast %get3A_2 : i32 to vector<992x128xi32>
    %add3A_16 = arith.addi %add3A_11, %add3A_15 : vector<992x128xi32>
    %add3A_17 = arith.addi %add3A_14, %add3A_16 : vector<992x128xi32>
    %shift_left3A = arith.constant 13 : i32
    %shift_left3A_18 = vector.broadcast %shift_left3A : i32 to vector<992x128xi32>
    %shift_left3A_19 = arith.shli %add3A_16, %shift_left3A_18 : vector<992x128xi32>
    %shift_right_logical3A = arith.constant 19 : i32
    %shift_right_logical3A_20 = vector.broadcast %shift_right_logical3A : i32 to vector<992x128xi32>
    %shift_right_logical3A_21 = arith.shrui %add3A_16, %shift_right_logical3A_20 : vector<992x128xi32>
    %or3A = arith.ori %shift_left3A_19, %shift_right_logical3A_21 : vector<992x128xi32>
    %xor3A_22 = arith.xori %add3A_17, %or3A : vector<992x128xi32>
    %add3A_23 = arith.addi %add3A_17, %xor3A_22 : vector<992x128xi32>
    %shift_left3A_24 = arith.constant 15 : i32
    %shift_left3A_25 = vector.broadcast %shift_left3A_24 : i32 to vector<992x128xi32>
    %shift_left3A_26 = arith.shli %xor3A_22, %shift_left3A_25 : vector<992x128xi32>
    %shift_right_logical3A_27 = arith.constant 17 : i32
    %shift_right_logical3A_28 = vector.broadcast %shift_right_logical3A_27 : i32 to vector<992x128xi32>
    %shift_right_logical3A_29 = arith.shrui %xor3A_22, %shift_right_logical3A_28 : vector<992x128xi32>
    %or3A_30 = arith.ori %shift_left3A_26, %shift_right_logical3A_29 : vector<992x128xi32>
    %xor3A_31 = arith.xori %add3A_23, %or3A_30 : vector<992x128xi32>
    %add3A_32 = arith.addi %add3A_23, %xor3A_31 : vector<992x128xi32>
    %shift_left3A_33 = arith.constant 26 : i32
    %shift_left3A_34 = vector.broadcast %shift_left3A_33 : i32 to vector<992x128xi32>
    %shift_left3A_35 = arith.shli %xor3A_31, %shift_left3A_34 : vector<992x128xi32>
    %shift_right_logical3A_36 = arith.constant 6 : i32
    %shift_right_logical3A_37 = vector.broadcast %shift_right_logical3A_36 : i32 to vector<992x128xi32>
    %shift_right_logical3A_38 = arith.shrui %xor3A_31, %shift_right_logical3A_37 : vector<992x128xi32>
    %or3A_39 = arith.ori %shift_left3A_35, %shift_right_logical3A_38 : vector<992x128xi32>
    %xor3A_40 = arith.xori %add3A_32, %or3A_39 : vector<992x128xi32>
    %add3A_41 = arith.addi %add3A_32, %xor3A_40 : vector<992x128xi32>
    %shift_left3A_42 = arith.constant 6 : i32
    %shift_left3A_43 = vector.broadcast %shift_left3A_42 : i32 to vector<992x128xi32>
    %shift_left3A_44 = arith.shli %xor3A_40, %shift_left3A_43 : vector<992x128xi32>
    %shift_right_logical3A_45 = arith.constant 26 : i32
    %shift_right_logical3A_46 = vector.broadcast %shift_right_logical3A_45 : i32 to vector<992x128xi32>
    %shift_right_logical3A_47 = arith.shrui %xor3A_40, %shift_right_logical3A_46 : vector<992x128xi32>
    %or3A_48 = arith.ori %shift_left3A_44, %shift_right_logical3A_47 : vector<992x128xi32>
    %xor3A_49 = arith.xori %add3A_41, %or3A_48 : vector<992x128xi32>
    %add3A_50 = vector.broadcast %get3A_2 : i32 to vector<992x128xi32>
    %add3A_51 = arith.addi %add3A_41, %add3A_50 : vector<992x128xi32>
    %add3A_52 = vector.broadcast %xor3A_4 : i32 to vector<992x128xi32>
    %add3A_53 = arith.addi %xor3A_49, %add3A_52 : vector<992x128xi32>
    %add3A_54 = arith.constant 1 : i32
    %add3A_55 = vector.broadcast %add3A_54 : i32 to vector<992x128xi32>
    %add3A_56 = arith.addi %add3A_53, %add3A_55 : vector<992x128xi32>
    %add3A_57 = arith.addi %add3A_51, %add3A_56 : vector<992x128xi32>
    %shift_left3A_58 = arith.constant 17 : i32
    %shift_left3A_59 = vector.broadcast %shift_left3A_58 : i32 to vector<992x128xi32>
    %shift_left3A_60 = arith.shli %add3A_56, %shift_left3A_59 : vector<992x128xi32>
    %shift_right_logical3A_61 = arith.constant 15 : i32
    %shift_right_logical3A_62 = vector.broadcast %shift_right_logical3A_61 : i32 to vector<992x128xi32>
    %shift_right_logical3A_63 = arith.shrui %add3A_56, %shift_right_logical3A_62 : vector<992x128xi32>
    %or3A_64 = arith.ori %shift_left3A_60, %shift_right_logical3A_63 : vector<992x128xi32>
    %xor3A_65 = arith.xori %add3A_57, %or3A_64 : vector<992x128xi32>
    %add3A_66 = arith.addi %add3A_57, %xor3A_65 : vector<992x128xi32>
    %shift_left3A_67 = arith.constant 29 : i32
    %shift_left3A_68 = vector.broadcast %shift_left3A_67 : i32 to vector<992x128xi32>
    %shift_left3A_69 = arith.shli %xor3A_65, %shift_left3A_68 : vector<992x128xi32>
    %shift_right_logical3A_70 = arith.constant 3 : i32
    %shift_right_logical3A_71 = vector.broadcast %shift_right_logical3A_70 : i32 to vector<992x128xi32>
    %shift_right_logical3A_72 = arith.shrui %xor3A_65, %shift_right_logical3A_71 : vector<992x128xi32>
    %or3A_73 = arith.ori %shift_left3A_69, %shift_right_logical3A_72 : vector<992x128xi32>
    %xor3A_74 = arith.xori %add3A_66, %or3A_73 : vector<992x128xi32>
    %add3A_75 = arith.addi %add3A_66, %xor3A_74 : vector<992x128xi32>
    %shift_left3A_76 = arith.constant 16 : i32
    %shift_left3A_77 = vector.broadcast %shift_left3A_76 : i32 to vector<992x128xi32>
    %shift_left3A_78 = arith.shli %xor3A_74, %shift_left3A_77 : vector<992x128xi32>
    %shift_right_logical3A_79 = arith.constant 16 : i32
    %shift_right_logical3A_80 = vector.broadcast %shift_right_logical3A_79 : i32 to vector<992x128xi32>
    %shift_right_logical3A_81 = arith.shrui %xor3A_74, %shift_right_logical3A_80 : vector<992x128xi32>
    %or3A_82 = arith.ori %shift_left3A_78, %shift_right_logical3A_81 : vector<992x128xi32>
    %xor3A_83 = arith.xori %add3A_75, %or3A_82 : vector<992x128xi32>
    %add3A_84 = arith.addi %add3A_75, %xor3A_83 : vector<992x128xi32>
    %shift_left3A_85 = arith.constant 24 : i32
    %shift_left3A_86 = vector.broadcast %shift_left3A_85 : i32 to vector<992x128xi32>
    %shift_left3A_87 = arith.shli %xor3A_83, %shift_left3A_86 : vector<992x128xi32>
    %shift_right_logical3A_88 = arith.constant 8 : i32
    %shift_right_logical3A_89 = vector.broadcast %shift_right_logical3A_88 : i32 to vector<992x128xi32>
    %shift_right_logical3A_90 = arith.shrui %xor3A_83, %shift_right_logical3A_89 : vector<992x128xi32>
    %or3A_91 = arith.ori %shift_left3A_87, %shift_right_logical3A_90 : vector<992x128xi32>
    %xor3A_92 = arith.xori %add3A_84, %or3A_91 : vector<992x128xi32>
    %add3A_93 = vector.broadcast %xor3A_4 : i32 to vector<992x128xi32>
    %add3A_94 = arith.addi %add3A_84, %add3A_93 : vector<992x128xi32>
    %add3A_95 = vector.broadcast %get3A_0 : i32 to vector<992x128xi32>
    %add3A_96 = arith.addi %xor3A_92, %add3A_95 : vector<992x128xi32>
    %add3A_97 = arith.constant 2 : i32
    %add3A_98 = vector.broadcast %add3A_97 : i32 to vector<992x128xi32>
    %add3A_99 = arith.addi %add3A_96, %add3A_98 : vector<992x128xi32>
    %add3A_100 = arith.addi %add3A_94, %add3A_99 : vector<992x128xi32>
    %shift_left3A_101 = arith.constant 13 : i32
    %shift_left3A_102 = vector.broadcast %shift_left3A_101 : i32 to vector<992x128xi32>
    %shift_left3A_103 = arith.shli %add3A_99, %shift_left3A_102 : vector<992x128xi32>
    %shift_right_logical3A_104 = arith.constant 19 : i32
    %shift_right_logical3A_105 = vector.broadcast %shift_right_logical3A_104 : i32 to vector<992x128xi32>
    %shift_right_logical3A_106 = arith.shrui %add3A_99, %shift_right_logical3A_105 : vector<992x128xi32>
    %or3A_107 = arith.ori %shift_left3A_103, %shift_right_logical3A_106 : vector<992x128xi32>
    %xor3A_108 = arith.xori %add3A_100, %or3A_107 : vector<992x128xi32>
    %add3A_109 = arith.addi %add3A_100, %xor3A_108 : vector<992x128xi32>
    %shift_left3A_110 = arith.constant 15 : i32
    %shift_left3A_111 = vector.broadcast %shift_left3A_110 : i32 to vector<992x128xi32>
    %shift_left3A_112 = arith.shli %xor3A_108, %shift_left3A_111 : vector<992x128xi32>
    %shift_right_logical3A_113 = arith.constant 17 : i32
    %shift_right_logical3A_114 = vector.broadcast %shift_right_logical3A_113 : i32 to vector<992x128xi32>
    %shift_right_logical3A_115 = arith.shrui %xor3A_108, %shift_right_logical3A_114 : vector<992x128xi32>
    %or3A_116 = arith.ori %shift_left3A_112, %shift_right_logical3A_115 : vector<992x128xi32>
    %xor3A_117 = arith.xori %add3A_109, %or3A_116 : vector<992x128xi32>
    %add3A_118 = arith.addi %add3A_109, %xor3A_117 : vector<992x128xi32>
    %shift_left3A_119 = arith.constant 26 : i32
    %shift_left3A_120 = vector.broadcast %shift_left3A_119 : i32 to vector<992x128xi32>
    %shift_left3A_121 = arith.shli %xor3A_117, %shift_left3A_120 : vector<992x128xi32>
    %shift_right_logical3A_122 = arith.constant 6 : i32
    %shift_right_logical3A_123 = vector.broadcast %shift_right_logical3A_122 : i32 to vector<992x128xi32>
    %shift_right_logical3A_124 = arith.shrui %xor3A_117, %shift_right_logical3A_123 : vector<992x128xi32>
    %or3A_125 = arith.ori %shift_left3A_121, %shift_right_logical3A_124 : vector<992x128xi32>
    %xor3A_126 = arith.xori %add3A_118, %or3A_125 : vector<992x128xi32>
    %add3A_127 = arith.addi %add3A_118, %xor3A_126 : vector<992x128xi32>
    %shift_left3A_128 = arith.constant 6 : i32
    %shift_left3A_129 = vector.broadcast %shift_left3A_128 : i32 to vector<992x128xi32>
    %shift_left3A_130 = arith.shli %xor3A_126, %shift_left3A_129 : vector<992x128xi32>
    %shift_right_logical3A_131 = arith.constant 26 : i32
    %shift_right_logical3A_132 = vector.broadcast %shift_right_logical3A_131 : i32 to vector<992x128xi32>
    %shift_right_logical3A_133 = arith.shrui %xor3A_126, %shift_right_logical3A_132 : vector<992x128xi32>
    %or3A_134 = arith.ori %shift_left3A_130, %shift_right_logical3A_133 : vector<992x128xi32>
    %xor3A_135 = arith.xori %add3A_127, %or3A_134 : vector<992x128xi32>
    %add3A_136 = vector.broadcast %get3A_0 : i32 to vector<992x128xi32>
    %add3A_137 = arith.addi %add3A_127, %add3A_136 : vector<992x128xi32>
    %add3A_138 = vector.broadcast %get3A_2 : i32 to vector<992x128xi32>
    %add3A_139 = arith.addi %xor3A_135, %add3A_138 : vector<992x128xi32>
    %add3A_140 = arith.constant 3 : i32
    %add3A_141 = vector.broadcast %add3A_140 : i32 to vector<992x128xi32>
    %add3A_142 = arith.addi %add3A_139, %add3A_141 : vector<992x128xi32>
    %add3A_143 = arith.addi %add3A_137, %add3A_142 : vector<992x128xi32>
    %shift_left3A_144 = arith.constant 17 : i32
    %shift_left3A_145 = vector.broadcast %shift_left3A_144 : i32 to vector<992x128xi32>
    %shift_left3A_146 = arith.shli %add3A_142, %shift_left3A_145 : vector<992x128xi32>
    %shift_right_logical3A_147 = arith.constant 15 : i32
    %shift_right_logical3A_148 = vector.broadcast %shift_right_logical3A_147 : i32 to vector<992x128xi32>
    %shift_right_logical3A_149 = arith.shrui %add3A_142, %shift_right_logical3A_148 : vector<992x128xi32>
    %or3A_150 = arith.ori %shift_left3A_146, %shift_right_logical3A_149 : vector<992x128xi32>
    %xor3A_151 = arith.xori %add3A_143, %or3A_150 : vector<992x128xi32>
    %add3A_152 = arith.addi %add3A_143, %xor3A_151 : vector<992x128xi32>
    %shift_left3A_153 = arith.constant 29 : i32
    %shift_left3A_154 = vector.broadcast %shift_left3A_153 : i32 to vector<992x128xi32>
    %shift_left3A_155 = arith.shli %xor3A_151, %shift_left3A_154 : vector<992x128xi32>
    %shift_right_logical3A_156 = arith.constant 3 : i32
    %shift_right_logical3A_157 = vector.broadcast %shift_right_logical3A_156 : i32 to vector<992x128xi32>
    %shift_right_logical3A_158 = arith.shrui %xor3A_151, %shift_right_logical3A_157 : vector<992x128xi32>
    %or3A_159 = arith.ori %shift_left3A_155, %shift_right_logical3A_158 : vector<992x128xi32>
    %xor3A_160 = arith.xori %add3A_152, %or3A_159 : vector<992x128xi32>
    %add3A_161 = arith.addi %add3A_152, %xor3A_160 : vector<992x128xi32>
    %shift_left3A_162 = arith.constant 16 : i32
    %shift_left3A_163 = vector.broadcast %shift_left3A_162 : i32 to vector<992x128xi32>
    %shift_left3A_164 = arith.shli %xor3A_160, %shift_left3A_163 : vector<992x128xi32>
    %shift_right_logical3A_165 = arith.constant 16 : i32
    %shift_right_logical3A_166 = vector.broadcast %shift_right_logical3A_165 : i32 to vector<992x128xi32>
    %shift_right_logical3A_167 = arith.shrui %xor3A_160, %shift_right_logical3A_166 : vector<992x128xi32>
    %or3A_168 = arith.ori %shift_left3A_164, %shift_right_logical3A_167 : vector<992x128xi32>
    %xor3A_169 = arith.xori %add3A_161, %or3A_168 : vector<992x128xi32>
    %add3A_170 = arith.addi %add3A_161, %xor3A_169 : vector<992x128xi32>
    %shift_left3A_171 = arith.constant 24 : i32
    %shift_left3A_172 = vector.broadcast %shift_left3A_171 : i32 to vector<992x128xi32>
    %shift_left3A_173 = arith.shli %xor3A_169, %shift_left3A_172 : vector<992x128xi32>
    %shift_right_logical3A_174 = arith.constant 8 : i32
    %shift_right_logical3A_175 = vector.broadcast %shift_right_logical3A_174 : i32 to vector<992x128xi32>
    %shift_right_logical3A_176 = arith.shrui %xor3A_169, %shift_right_logical3A_175 : vector<992x128xi32>
    %or3A_177 = arith.ori %shift_left3A_173, %shift_right_logical3A_176 : vector<992x128xi32>
    %xor3A_178 = arith.xori %add3A_170, %or3A_177 : vector<992x128xi32>
    %add3A_179 = vector.broadcast %get3A_2 : i32 to vector<992x128xi32>
    %add3A_180 = arith.addi %add3A_170, %add3A_179 : vector<992x128xi32>
    %add3A_181 = vector.broadcast %xor3A_4 : i32 to vector<992x128xi32>
    %add3A_182 = arith.addi %xor3A_178, %add3A_181 : vector<992x128xi32>
    %add3A_183 = arith.constant 4 : i32
    %add3A_184 = vector.broadcast %add3A_183 : i32 to vector<992x128xi32>
    %add3A_185 = arith.addi %add3A_182, %add3A_184 : vector<992x128xi32>
    %add3A_186 = arith.addi %add3A_180, %add3A_185 : vector<992x128xi32>
    %shift_left3A_187 = arith.constant 13 : i32
    %shift_left3A_188 = vector.broadcast %shift_left3A_187 : i32 to vector<992x128xi32>
    %shift_left3A_189 = arith.shli %add3A_185, %shift_left3A_188 : vector<992x128xi32>
    %shift_right_logical3A_190 = arith.constant 19 : i32
    %shift_right_logical3A_191 = vector.broadcast %shift_right_logical3A_190 : i32 to vector<992x128xi32>
    %shift_right_logical3A_192 = arith.shrui %add3A_185, %shift_right_logical3A_191 : vector<992x128xi32>
    %or3A_193 = arith.ori %shift_left3A_189, %shift_right_logical3A_192 : vector<992x128xi32>
    %xor3A_194 = arith.xori %add3A_186, %or3A_193 : vector<992x128xi32>
    %add3A_195 = arith.addi %add3A_186, %xor3A_194 : vector<992x128xi32>
    %shift_left3A_196 = arith.constant 15 : i32
    %shift_left3A_197 = vector.broadcast %shift_left3A_196 : i32 to vector<992x128xi32>
    %shift_left3A_198 = arith.shli %xor3A_194, %shift_left3A_197 : vector<992x128xi32>
    %shift_right_logical3A_199 = arith.constant 17 : i32
    %shift_right_logical3A_200 = vector.broadcast %shift_right_logical3A_199 : i32 to vector<992x128xi32>
    %shift_right_logical3A_201 = arith.shrui %xor3A_194, %shift_right_logical3A_200 : vector<992x128xi32>
    %or3A_202 = arith.ori %shift_left3A_198, %shift_right_logical3A_201 : vector<992x128xi32>
    %xor3A_203 = arith.xori %add3A_195, %or3A_202 : vector<992x128xi32>
    %add3A_204 = arith.addi %add3A_195, %xor3A_203 : vector<992x128xi32>
    %shift_left3A_205 = arith.constant 26 : i32
    %shift_left3A_206 = vector.broadcast %shift_left3A_205 : i32 to vector<992x128xi32>
    %shift_left3A_207 = arith.shli %xor3A_203, %shift_left3A_206 : vector<992x128xi32>
    %shift_right_logical3A_208 = arith.constant 6 : i32
    %shift_right_logical3A_209 = vector.broadcast %shift_right_logical3A_208 : i32 to vector<992x128xi32>
    %shift_right_logical3A_210 = arith.shrui %xor3A_203, %shift_right_logical3A_209 : vector<992x128xi32>
    %or3A_211 = arith.ori %shift_left3A_207, %shift_right_logical3A_210 : vector<992x128xi32>
    %xor3A_212 = arith.xori %add3A_204, %or3A_211 : vector<992x128xi32>
    %add3A_213 = arith.addi %add3A_204, %xor3A_212 : vector<992x128xi32>
    %shift_left3A_214 = arith.constant 6 : i32
    %shift_left3A_215 = vector.broadcast %shift_left3A_214 : i32 to vector<992x128xi32>
    %shift_left3A_216 = arith.shli %xor3A_212, %shift_left3A_215 : vector<992x128xi32>
    %shift_right_logical3A_217 = arith.constant 26 : i32
    %shift_right_logical3A_218 = vector.broadcast %shift_right_logical3A_217 : i32 to vector<992x128xi32>
    %shift_right_logical3A_219 = arith.shrui %xor3A_212, %shift_right_logical3A_218 : vector<992x128xi32>
    %or3A_220 = arith.ori %shift_left3A_216, %shift_right_logical3A_219 : vector<992x128xi32>
    %xor3A_221 = arith.xori %add3A_213, %or3A_220 : vector<992x128xi32>
    %add3A_222 = vector.broadcast %xor3A_4 : i32 to vector<992x128xi32>
    %add3A_223 = arith.addi %add3A_213, %add3A_222 : vector<992x128xi32>
    %add3A_224 = vector.broadcast %get3A_0 : i32 to vector<992x128xi32>
    %add3A_225 = arith.addi %xor3A_221, %add3A_224 : vector<992x128xi32>
    %add3A_226 = arith.constant 5 : i32
    %add3A_227 = vector.broadcast %add3A_226 : i32 to vector<992x128xi32>
    %add3A_228 = arith.addi %add3A_225, %add3A_227 : vector<992x128xi32>
    %xor3A_229 = arith.xori %add3A_223, %add3A_228 : vector<992x128xi32>
    %shift_right_logical3A_230 = arith.constant 9 : i32
    %shift_right_logical3A_231 = vector.broadcast %shift_right_logical3A_230 : i32 to vector<992x128xi32>
    %shift_right_logical3A_232 = arith.shrui %xor3A_229, %shift_right_logical3A_231 : vector<992x128xi32>
    %lt3A = arith.constant 1000000 : i32
    %lt3A_233 = vector.broadcast %lt3A : i32 to vector<992x128xi32>
    %lt3A_234 = arith.cmpi slt, %add3A_11, %lt3A_233 : vector<992x128xi32>
    %jit3A = arith.constant 8388608 : i32
    %broadcast_in_dim3A_235 = vector.broadcast %jit3A : i32 to vector<992x128xi32>
    %select_n3A = arith.select %lt3A_234, %shift_right_logical3A_232, %broadcast_in_dim3A_235 : vector<992x128xi1>, vector<992x128xi32>
    %swap3A = arith.constant 0 : index
    %swap3A_236 = arith.constant 0 : index
    %swap3A_237 = vector.load %arg2[%swap3A, %swap3A_236] : memref<992x128xi32, #tpu.memory_space<vmem>>, vector<992x128xi32>
    tpu.vector_store %arg2[%swap3A, %swap3A_236], %select_n3A {strides = array<i32>} : memref<992x128xi32, #tpu.memory_space<vmem>>, vector<992x128xi32>,
    return
  }
  func.func @transform_0(%arg0: i32) -> i32 {
    %c0_i32 = arith.constant 0 : i32
    %c0_i32_0 = arith.constant 0 : i32
    return %c0_i32 : i32
  }
  func.func @transform_1(%arg0: i32) -> (i32, i32) {
    %c0_i32 = arith.constant 0 : i32
    %c0_i32_0 = arith.constant 0 : i32
    return %arg0, %c0_i32 : i32, i32
  }
}

</mosaic_0001>

<sc_bundles>
// kernel: kernel.12.cloned.1.call-start
scs
__scs_entry_jumppad:
0x0: {  	(pc) =	sbr.rel $0x88, $3  }
0x1: {  	(tag) =	ssettag $0x0;
	lr =	simm.s32 $0x1  }
0x2: {  	[smem:$0x3FA0] =	sst lr;
	_ =	strace $0xD0000000  }
0x3: {  	_ = 	snop  }
0x4: {  	_ = 	snop  }
0x5: {  	_ = 	snop  }
0x6: {  	_ = 	snop  }
0x7: {  	_ = 	snop  }
__scs_overlays_trampoline_lowered:
0x8: {  	[smem:$0x3FAF] =	sst s0  }
0x9: {  	[smem:$0x3FB0] =	sst s1  }
0xa: {  	[smem:$0x3FB1] =	sst s2  }
0xb: {  	[smem:$0x3FB2] =	sst s3  }
0xc: {  	[smem:$0x3FB3] =	sst s4  }
0xd: {  	[smem:$0x3FB4] =	sst s5  }
0xe: {  	[smem:$0x3FB5] =	sst s6  }
0xf: {  	[smem:$0x3FB6] =	sst s7  }
0x10: {  	[smem:$0x3FB7] =	sst s8  }
0x11: {  	[smem:$0x3FB8] =	sst s9;
	s0 =	simm.s32 @!p0 $0x0  }
0x12: {  	s1 =	sld [smem:$0x3F9E];
	s0 =	simm.s32 @p0 $0x1  }
0x13: {  	[smem:$0x3FB9] =	sst s0;
	s0 =	simm.s32 @!p1 $0x0  }
0x14: {  	s2 =	sld [smem:$0x3F9D];
	s0 =	simm.s32 @p1 $0x1  }
0x15: {  	[smem:$0x3FBA] =	sst s0;
	s0 =	simm.s32 @!p2 $0x0  }
0x16: {  	s3 =	sld [smem:$0x3FDB];
	s0 =	simm.s32 @p2 $0x1  }
0x17: {  	s4 =	simm.s32 $0x1BF5;
	[smem:$0x3FBC] =	sst s0  }
0x18: {  	s0 =	sld [smem:$0x3F9F];
	_ =	swait.ge [sflag:s4], $0x0  }
0x19: {  	s7 =	sld [smem:$0x3FA0]  }
0x1a: {  	s8 =	sadd.s32 $0xFFFFE003, lr  }
0x1b: {  	s9 =	sadd.s32 $0xFFFFFEF7, lr;
	s5 =	simm.s32 $0xFFFFFFFF;
	p2 =	slt.u32 s8, $0xFFFFF086  }
0x1c: {  	p1 =	slt.u32 s9, $0xF7A;
	s5 =	simm.s32 @!p2 $0x0  }
0x1d: {  	s5 =	simm.s32 @p1 $0x1;
	p0 =	seq.s32 s7, s2  }
0x1e: {  	s7 =	smul.u32 @!p0 $0xF7A, s2;
	p2 =	seq.s32 @!p0 s5, $0x0  }
0x1f: {  	s9 =	smul.u32 $0xF7A, s1;
	s8 =	simm.s32 @!p0 $0x1BF5;
	p2 =	por !p2, p0  }
0x20: {  	[sflag:s8] =	ssyncset.s32 @!p0 $0xFFFFF086;
	s6 =	sadd.s32 @!p0 s3, s7;
	s7 =	simm.s32 @!p0 $0x108  }
0x21: {  	s3 =	sadd.s32 s3, s9;
	s6 =	sadd.s32 @!p0 $0x88, s6;
	s7 =	simm.s32 @p2 $0x1082  }
0x22: {  	[simem:s7], [sflag:s8] =	dma.local @!p0 [hbm:s6], $0xF7A  }
0x23: {  	s9 =	sor.u32 $0xD0000000, s2;
	s6 =	simm.s32 $0x108;
	_ =	swait.ge @!p0 [sflag:s8], $0x0  }
0x24: {  	s3 =	sadd.s32 $0x88, s3;
	s6 =	simm.s32 @!p1 $0x1082;
	[sflag:s4] =	ssyncset.s32 $0xFFFFF086  }
0x25: {  	[simem:s6], [sflag:s4] =	dma.local [hbm:s3], $0xF7A  }
0x26: {  	[smem:$0x3FA0] =	sst s1;
	(tag) =	ssettag s2;
	_ =	strace s9  }
0x27: {  	s1 =	sld [smem:$0x3FB0]  }
0x28: {  	s2 =	sld [smem:$0x3FB1]  }
0x29: {  	s4 =	sld [smem:$0x3FB3]  }
0x2a: {  	p0 =	seq.s32 s5, $0x0;
	s5 =	sld [smem:$0x3FB4]  }
0x2b: {  	s6 =	sld [smem:$0x3FB5]  }
0x2c: {  	s7 =	sld [smem:$0x3FB6]  }
0x2d: {  	s3 =	simm.s32 $0x108;
	s8 =	sld [smem:$0x3FB7]  }
0x2e: {  	s3 =	simm.s32 @!p0 $0x1082;
	s9 =	sld [smem:$0x3FB8]  }
0x2f: {  	lr =	sadd.s32 s0, s3;
	s0 =	sld [smem:$0x3FAF]  }
0x30: {  	s3 =	sld [smem:$0x3FB2]  }
0x31: {  	[smem:$0x3FBB] =	sst s10  }
0x32: {  	s10 =	sld [smem:$0x3FB9];
	_ =	sdelay $0x3  }
0x33: {  	p0 =	seq.s32 s10, $0x1;
	s10 =	sld [smem:$0x3FBB];
	_ =	sdelay $0x3  }
0x34: {  	[smem:$0x3FBB] =	sst s10  }
0x35: {  	s10 =	sld [smem:$0x3FBA];
	_ =	sdelay $0x3  }
0x36: {  	p1 =	seq.s32 s10, $0x1;
	s10 =	sld [smem:$0x3FBB];
	_ =	sdelay $0x3  }
0x37: {  	[smem:$0x3FBB] =	sst s10  }
0x38: {  	s10 =	sld [smem:$0x3FBC]  }
0x39: {  	_ = 	snop;
	(pc) =	sbr.ind lr, $3  }
0x3a: {  	_ = 	snop  }
0x3b: {  	_ = 	snop  }
0x3c: {  	p2 =	seq.s32 s10, $0x1;
	s10 =	sld [smem:$0x3FBB]  }
0x3d: {  	_ =	shalt  }
0x3e: {  	_ =	shalt  }
0x3f: {  	_ =	shalt  }
0x40: {  	_ =	shalt  }
0x41: {  	_ =	shalt  }
0x42: {  	_ =	shalt  }
0x43: {  	_ =	shalt  }
0x44: {  	_ =	shalt  }
0x45: {  	_ =	shalt  }
0x46: {  	_ =	shalt  }
0x47: {  	_ =	shalt  }
0x48: {  	_ =	shalt  }
0x49: {  	_ =	shalt  }
0x4a: {  	_ =	shalt  }
0x4b: {  	_ =	shalt  }
0x4c: {  	_ =	shalt  }
0x4d: {  	_ =	shalt  }
0x4e: {  	_ =	shalt  }
0x4f: {  	_ =	shalt  }
0x50: {  	_ =	shalt  }
0x51: {  	_ =	shalt  }
0x52: {  	_ =	shalt  }
0x53: {  	_ =	shalt  }
0x54: {  	_ =	shalt  }
0x55: {  	_ =	shalt  }
0x56: {  	_ =	shalt  }
0x57: {  	_ =	shalt  }
0x58: {  	_ =	shalt  }
0x59: {  	_ =	shalt  }
0x5a: {  	_ =	shalt  }
0x5b: {  	_ =	shalt  }
0x5c: {  	_ =	shalt  }
0x5d: {  	_ =	shalt  }
0x5e: {  	_ =	shalt  }
0x5f: {  	_ =	shalt  }
0x60: {  	_ =	shalt  }
0x61: {  	_ =	shalt  }
0x62: {  	_ =	shalt  }
0x63: {  	_ =	shalt  }
0x64: {  	_ =	shalt  }
0x65: {  	_ =	shalt  }
0x66: {  	_ =	shalt  }
0x67: {  	_ =	shalt  }
0x68: {  	_ =	shalt  }
0x69: {  	_ =	shalt  }
0x6a: {  	_ =	shalt  }
0x6b: {  	_ =	shalt  }
0x6c: {  	_ =	shalt  }
0x6d: {  	_ =	shalt  }
0x6e: {  	_ =	shalt  }
0x6f: {  	_ =	shalt  }
0x70: {  	_ =	shalt  }
0x71: {  	_ =	shalt  }
0x72: {  	_ =	shalt  }
0x73: {  	_ =	shalt  }
0x74: {  	_ =	shalt  }
0x75: {  	_ =	shalt  }
0x76: {  	_ =	shalt  }
0x77: {  	_ =	shalt  }
0x78: {  	_ =	shalt  }
0x79: {  	_ =	shalt  }
0x7a: {  	_ =	shalt  }
0x7b: {  	_ =	shalt  }
0x7c: {  	_ =	shalt  }
0x7d: {  	_ =	shalt  }
0x7e: {  	_ =	shalt  }
0x7f: {  	_ =	shalt  }
0x80: {  	_ =	shalt  }
0x81: {  	_ =	shalt  }
0x82: {  	_ =	shalt  }
0x83: {  	_ =	shalt  }
0x84: {  	_ =	shalt  }
0x85: {  	_ =	shalt  }
0x86: {  	_ =	shalt  }
0x87: {  	_ =	shalt  }
.Lfunc_end0:
.L_simem_size_0:
called_computation.1_lowered:
.L_overlay_start_0:
0x88: {  	s2 =	sld [smem:$0x3FD9]  }
0x89: {  	s3 =	sld [smem:$0x3FFE];
	_ =	sdelay $0x1  }
0x8a: {  	s1 =	srdreg.scid  }
0x8b: {  	s0 =	sand.u32 $0x1, s1  }
0x8c: {  	s15 =	sshll.u32 s0, $0xA;
	s2 =	sadd.s32 s3, s2  }
0x8d: {  	s2 =	sadd.s32 s2, s15  }
0x8e: {  	[smem:$0x3FC7] =	sst s2  }
0x8f: {  	_ = 	snop  }
0x90: {  	s2 =	sld [smem:$0x3FD0];
	_ =	sdelay $0x2  }
0x91: {  	s16 =	simm.s32 $0xA;
	s4 =	simm.s32 $0x10  }
0x92: {  	[smem:s4], [sflag:s16] =	dma.local [hbm:s2], $0x1  }
0x93: {  	_ =	swait.eq [sflag:s16], $0x1  }
0x94: {  	[sflag:s16] =	ssyncset.done $0x0  }
0x95: {  	s17 =	sld [smem:$0x10];
	[sflag:s16] =	ssyncadd.s32 $0xFFFFFFFF  }
0x96: {  	s18 =	sld [smem:$0x11];
	(tm) =	ssettm $0x1  }
0x97: {  	s19 =	sld [smem:$0x3FFB];
	_ =	sdelay $0x3  }
0x98: {  	_ =	strace s19  }
0x99: {  	s4 =	sld [smem:$0x3FFC];
	_ =	sdelay $0x3  }
0x9a: {  	_ =	strace s4  }
0x9b: {  	s4 =	sld [smem:$0x3FFD];
	_ =	sdelay $0x3  }
0x9c: {  	_ =	strace s4  }
0x9d: {  	_ =	strace $0x8FFFFFFF  }
0x9e: {  	s20 =	sld [smem:$0x3FDB];
	_ =	sdelay $0x1  }
0x9f: {  	s5 =	simm.s32 $_scs_section_size  }
0xa0: {  	s6 =	simm.s32 $_size__tile_overlayer_lowered;
	s7 =	simm.s32 $_tile_overlayer_lowered  }
0xa1: {  	s23 =	simm.s32 $0x1BFF;
	s22 =	sshll.u32 s7, $0x1;
	s4 =	sadd.s32 s5, s20  }
0xa2: {  	s8 =	simm.s32 $0x0;
	s21 =	sshll.u32 s6, $0x1;
	s6 =	sadd.s32 s22, s4  }
0xa3: {  	[timem:s8], [sflag:s23] =	dma.local [hbm:s6], s21  }
0xa4: {  	_ =	swait.ge [sflag:s23], s21  }
0xa5: {  	s5 =	ssub.s32 $0x0, s21;
	[sflag:s23] =	ssyncset.done $0x0  }
0xa6: {  	[sflag:s23] =	ssyncadd.s32 s5;
	_ =	sdelay $0x1  }
0xa7: {  	s24 =	simm.s32 $0x1B8B  }
0xa8: {  	_ =	swait.ge [sflag:s24], $0x1  }
0xa9: {  	[sflag:s24] =	ssyncset.done $0x0  }
0xaa: {  	s25 =	simm.s32 $0x1B8E;
	[sflag:s24] =	ssyncadd.s32 $0xFFFFFFFF  }
0xab: {  	s26 =	simm.s32 $execute0_lowered;
	[smem:$0x3FD2] =	sst s25  }
0xac: {  	s5 =	sshll.u32 s26, $0x1;
	_ =	strace $0x80000049;
	[dreg:$0x1] =	wrdreg $0xFFFFFFFF  }
0xad: {  	s28 =	simm.s32 $_size_execute0_lowered;
	s4 =	sadd.s32 s4, s5;
	[dreg:$0x0] =	wrdreg $0x0  }
0xae: {  	s5 =	sshll.u32 s28, $0x1;
	[dreg:$0x2] =	wrdreg s4  }
0xaf: {  	[dreg:$0x3] =	wrdreg s5  }
0xb0: {  	[dreg:$0x4] =	wrdreg $0xC0  }
0xb1: {  	_ =	task [dreg:s8], $0x5FFFF  }
0xb2: {  	[dreg:$0x1] =	wrdreg $0xFFFFFFFF  }
0xb3: {  	[dreg:$0x0] =	wrdreg $0x60  }
0xb4: {  	[dreg:$0x2] =	wrdreg s17  }
0xb5: {  	[dreg:$0x3] =	wrdreg s18  }
0xb6: {  	[dreg:$0x4] =	wrdreg $0x9  }
0xb7: {  	_ =	task.clear_ibuf [dreg:s8], $0x5FFFF;
	_ =	strace $0x90000049  }
0xb8: {  	s29 =	simm.s32 $0x9;
	_ =	strace $0x8000004B  }
0xb9: {  	_ =	swait.ge [sflag:s29], $0x1  }
0xba: {  	[sflag:s29] =	ssyncadd.s32 $0xFFFFFFFF  }
0xbb: {  	_ =	strace $0x9000004B  }
0xbc: {  	_ =	sfence  }
0xbd: {  	s30 =	sld [smem:$0x0];
	_ =	sdelay $0x2  }
0xbe: {  	s31 =	sshll.u32 s1, $0xD;
	s1 =	sshrl.u32 s1, $0x2  }
0xbf: {  	s3 =	sand.u32 $0x4000, s31;
	s1 =	sadd.s32 s1, s30  }
0xc0: {  	s0 =	sor.u32 s3, s0;
	s1 =	sshll.u32 s1, $0x11  }
0xc1: {  	s0 =	sor.u32 s1, s0  }
0xc2: {  	s0 =	sadd.s32 $0x8F2B, s0  }
0xc3: {  	[sflag:s0] =	ssyncadd.remote.s32 $0x1  }
0xc4: {  	_ =	sfence.sel $0xFFFF  }
0xc5: {  	[dreg:$0x0] =	wrdreg $0xFFFFFFFF;
	(pc) =	sbr.abs _section_cstart, $3  }
0xc6: {  	[dreg:$0x1] =	wrdreg $0xFFFFFFFF  }
0xc7: {  	_ =	task.clear_ibuf [dreg:s8], $0x2FFFF;
	_ =	strace $0x9FFFFFFF  }
0xc8: {  	(tm) =	ssettm $0x7FFFFFFF  }
0xc9: {  	_ =	shalt  }
tec
execute0_lowered:
.L_overlay_start_1:
0x0: {  	(tag) =	ssettag $0x1  }
0x1: {  	s0 =	srdreg.scid  }
0x2: {  	s1 =	stileid.u32;
	s5 =	sand.u32 $0x1, s0  }
0x3: {  	s6 =	sor.u32 s1, s5  }
0x4: {  	p0 =	sne.s32 s6, $0x0  }
.Ltmp0:
0x5: {  	_ = 	snop;
	(pc) =	sbr.rel @p0 .LBB2_15-.Ltmp0, $4  }
0x6: {  	s2 =	rddreg [dreg:$0x0]  }
0x7: {  	s3 =	rddreg [dreg:$0x1];
	s4 =	simm.s32 $0x0  }
0x8: {  	[smem:$0x7FF] =	sst s4  }
0x9: {  	s0 =	rddreg [dreg:$0x2];
	_ =	strace $0x8000004A  }
0xa: {  	s5 =	ssub.s32 $0x2, s5  }
0xb: {  	s7 =	simm.s32 $0x400;
	s8 =	simm.s32 $0x1;
	s6 =	sshrl.u32 s5, $0x1  }
0xc: {  	v0 =	vimm.s32 $0x0;
	s9 =	simm.s32 $0x1000;
	s5 =	ssub.s32 s5, s6;
	s6 =	simm.s32 $0x80  }
.LBB2_2:
0xd: {  	s11 =	simm.s32 $0x0;
	s10 =	simm.s32 $0x40;
	s12 =	simm.s32 $0x0  }
.LBB2_3:
0xe: {  	p0 =	sne.s32 s10, $0x3FC0;
	[tilespmem:s12+$0x1000] =	vst v0;
	s12 =	smov.u32 s10;
	s10 =	sadd.s32 $0x40, s10  }
.Ltmp1:
0xf: {  	(pc) =	sbr.rel @p0 .LBB2_3-.Ltmp1, $2  }
0x10: {  	_ =	sdelay $0x2  }
0x11: {  	s12 =	sshra.s32 s12, $0x2  }
0x12: {  	[tilespmem:s12+$0x1000] =	vst v0  }
.LBB2_5:
0x13: {  	s10 =	sshll.u32 s11, $0x4  }
0x14: {  	s12 =	sshll.u32 s11, $0x9;
	s10 =	sand.u32 $0x70, s10  }
0x15: {  	s12 =	sand.u32 $0x3000, s12;
	s10 =	sadd.s32 s2, s10  }
0x16: {  	s31 =	simm.s32 $0x0;
	s10 =	sadd.s32 s12, s10  }
0x17: {  	[tilespmem:s31], [sflag:$0x1] =	stream.strided.gather [hbm4b:s10+s6], $0x1000, s7, s6, $0x38;
	[tilespmem:$0x2000] =	vst v63  }
0x18: {  	_ =	swait.ge [sflag:s8], $0x1000  }
0x19: {  	[sflag:s8] =	ssyncset.done $0x0  }
0x1a: {  	s10 =	simm.s32 $0x0;
	[sflag:s8] =	ssyncadd.s32 $0xFFFFF000  }
0x1b: {  	s12 =	simm.s32 $0x40;
	v1 =	vld [tilespmem:s10+$0x0]  }
.LBB2_6:
0x1c: {  	p0 =	sne.s32 s12, $0x3FC0;
	v2 =	vld [tilespmem:s10+$0x1000];
	_ =	sdelay $0x1  }
.Ltmp2:
0x1d: {  	(pc) =	sbr.rel @p0 .LBB2_6-.Ltmp2, $3  }
0x1e: {  	_ =	sdelay $0x1  }
0x1f: {  	s13 =	sshra.s32 s12, $0x2;
	v2 =	vadd.s32 v2, v1  }
0x20: {  	s12 =	sadd.s32 $0x40, s12;
	v1 =	vld [tilespmem:s13+$0x0];
	[tilespmem:s10+$0x1000] =	vst v2;
	s10 =	smov.u32 s13  }
0x21: {  	v2 =	vld [tilespmem:s10+$0x1000];
	s11 =	sadd.s32 $0x1, s11  }
0x22: {  	p0 =	sne.s32 s11, $0x20  }
.Ltmp3:
0x23: {  	_ = 	snop;
	(pc) =	sbr.rel @p0 .LBB2_5-.Ltmp3, $3  }
0x24: {  	_ =	sdelay $0x1  }
0x25: {  	v1 =	vadd.s32 v2, v1  }
0x26: {  	[tilespmem:s10+$0x1000] =	vst v1;
	s10 =	simm.s32 $0x0  }
0x27: {  	s12 =	sshra.s32 s10, $0x2  }
0x28: {  	v1 =	vld [tilespmem:s12+$0x1000];
	_ =	sdelay $0x4  }
0x29: {  	(xrf0) =	vadd.scan.msk.s32 $0xffff, v1;
	_ =	sdelay $0x5  }
0x2a: {  	v2, _, _ =	vpop (xrf0)  }
0x2b: {  	(v2sf) =	vpush v2, $0xF  }
0x2c: {  	v1 =	vsub.s32 s10, v1  }
0x2d: {  	s13 =	sadd.s32 $0x40, s10;
	v1 =	vadd.s32 v2, v1  }
0x2e: {  	s11 =	sshra.s32 s13, $0x2;
	s13 =	sadd.s32 $0x40, s13;
	[tilespmem:s12+$0x1000] =	vst v1;
	s12 =	simm.s32 $0x0  }
.LBB2_9:
0x2f: {  	p0 =	sne.s32 s13, $0x3FC0;
	v1 =	vld [tilespmem:s11+$0x1000];
	_ =	sdelay $0x4  }
0x30: {  	(xrf0) =	vadd.scan.msk.s32 $0xffff, v1;
	_ =	sdelay $0x5  }
.Ltmp4:
0x31: {  	v2, _, _ =	vpop (xrf0);
	s14 =	spop (v2sf);
	(pc) =	sbr.rel @p0 .LBB2_9-.Ltmp4, $4  }
0x32: {  	(v2sf) =	vpush v2, $0xF;
	s12 =	sadd.s32 s12, s14  }
0x33: {  	v1 =	vsub.s32 s12, v1  }
0x34: {  	v1 =	vadd.s32 v2, v1  }
0x35: {  	[tilespmem:s11+$0x1000] =	vst v1;
	s11 =	sshra.s32 s13, $0x2;
	s13 =	sadd.s32 $0x40, s13  }
0x36: {  	v1 =	vld [tilespmem:s11+$0x1000];
	_ =	sdelay $0x4  }
0x37: {  	(xrf0) =	vadd.scan.msk.s32 $0xffff, v1;
	_ =	sdelay $0x5  }
0x38: {  	v2, _, _ =	vpop (xrf0)  }
0x39: {  	(v2sf) =	vpush v2, $0xF;
	_ =	sdelay $0xa  }
0x3a: {  	s13 =	spop (v2sf)  }
0x3b: {  	s12 =	sadd.s32 s12, s13  }
0x3c: {  	v1 =	vsub.s32 s12, v1  }
0x3d: {  	v1 =	vadd.s32 v2, v1  }
0x3e: {  	[tilespmem:s11+$0x1000] =	vst v1;
	s31 =	spop (v2sf)  }
.LBB2_11:
0x3f: {  	s11 =	sshll.u32 s10, $0x9;
	s12 =	sshll.u32 s10, $0x4  }
0x40: {  	s11 =	sand.u32 $0x3000, s11;
	s12 =	sand.u32 $0x70, s12  }
0x41: {  	s11 =	sor.u32 s12, s11  }
0x42: {  	s12 =	sadd.s32 s3, s11  }
0x43: {  	[hbm4b:s12+s6] =	stream.strided.scatter [tilespmem:s9], [sflag:$0x1], $0x1000, s7, s6, $0x38;
	[tilespmem:$0x2000] =	vst v63  }
0x44: {  	_ =	swait.ge [sflag:s8], $0x1000  }
0x45: {  	[sflag:s8] =	ssyncset.done $0x0  }
0x46: {  	s31 =	simm.s32 $0x0;
	s11 =	sadd.s32 s2, s11;
	[sflag:s8] =	ssyncadd.s32 $0xFFFFF000  }
0x47: {  	[tilespmem:s31], [sflag:$0x1] =	stream.strided.gather [hbm4b:s11+s6], $0x1000, s7, s6, $0x38;
	[tilespmem:$0x2000] =	vst v63  }
0x48: {  	_ =	swait.ge [sflag:s8], $0x1000  }
0x49: {  	[sflag:s8] =	ssyncset.done $0x0  }
0x4a: {  	s11 =	simm.s32 $0x0;
	[sflag:s8] =	ssyncadd.s32 $0xFFFFF000  }
0x4b: {  	s12 =	simm.s32 $0x40;
	v1 =	vld [tilespmem:s11+$0x0]  }
.LBB2_12:
0x4c: {  	p0 =	sne.s32 s12, $0x3FC0;
	v2 =	vld [tilespmem:s11+$0x1000];
	_ =	sdelay $0x1  }
.Ltmp5:
0x4d: {  	(pc) =	sbr.rel @p0 .LBB2_12-.Ltmp5, $3  }
0x4e: {  	_ =	sdelay $0x1  }
0x4f: {  	s13 =	sshra.s32 s12, $0x2;
	v2 =	vadd.s32 v2, v1  }
0x50: {  	s12 =	sadd.s32 $0x40, s12;
	v1 =	vld [tilespmem:s13+$0x0];
	[tilespmem:s11+$0x1000] =	vst v2;
	s11 =	smov.u32 s13  }
0x51: {  	v2 =	vld [tilespmem:s11+$0x1000];
	s10 =	sadd.s32 $0x1, s10  }
0x52: {  	p0 =	sne.s32 s10, $0x20  }
.Ltmp6:
0x53: {  	_ = 	snop;
	(pc) =	sbr.rel @p0 .LBB2_11-.Ltmp6, $3  }
0x54: {  	_ =	sdelay $0x1  }
0x55: {  	v1 =	vadd.s32 v2, v1  }
0x56: {  	[tilespmem:s11+$0x1000] =	vst v1  }
0x57: {  	s4 =	sadd.s32 $0x1, s4  }
0x58: {  	p0 =	sne.s32 s4, s5  }
.Ltmp7:
0x59: {  	_ = 	snop;
	(pc) =	sbr.rel @p0 .LBB2_2-.Ltmp7, $1  }
0x5a: {  	_ =	sdelay $0x3  }
.LBB2_15:
0x5b: {  	_ =	sfence.sel $0x180000  }
0x5c: {  	[bflag:$0x0] =	sbarrier.arrive $0xFFFF  }
0x5d: {  	p0 =	sne.s32 s1, $0x0;
	_ =	strace $0x9000004A  }
0x5e: {  	s0 =	sadd.s32 @!p0 $0x100000, s0;
	[bflag:$0x2] =	sbarrier.arrive $0xFFFF  }
0x5f: {  	[sflag:s0] =	ssyncadd.tile.s32 @!p0 $0x1;
	_ =	shalt  }
.Lfunc_end2:
_tile_overlayer_lowered:
.L_overlay_start_2:
0x60: {  	(tag) =	ssettag $0x2  }
0x61: {  	s0 =	rddreg [dreg:$0x0];
	s2 =	stileid.u32  }
0x62: {  	s1 =	rddreg [dreg:$0x1];
	p0 =	sne.s32 s2, $0x0  }
0x63: {  	s3 =	rddreg [dreg:$0x2];
	[bflag:$0x3] =	sbarrier.arrive $0xFFFF;
	s2 =	simm.s32 @!p0 $0x1C01  }
0x64: {  	[timem:s3], [sflag:s2] =	dma.local @!p0 [hbm:s0], s1  }
0x65: {  	s0 =	simm.s32 @!p0 $0x1  }
0x66: {  	_ =	swait.ge @!p0 [sflag:s0], s1  }
0x67: {  	s1 =	ssub.s32 @!p0 $0x0, s1;
	[sflag:s0] =	ssyncset.done @!p0 $0x0  }
0x68: {  	[sflag:s0] =	ssyncadd.s32 @!p0 s1  }
0x69: {  	[bflag:$0x3] =	sbarrier.arrive $0xFFFF  }
0x6a: {  	_ =	shalt  }

// kernel: kernel.15.cloned.1.call-start
scs
__scs_entry_jumppad:
0x0: {  	(pc) =	sbr.rel $0x88, $3  }
0x1: {  	(tag) =	ssettag $0x0;
	lr =	simm.s32 $0x1  }
0x2: {  	[smem:$0x3FA0] =	sst lr;
	_ =	strace $0xD0000000  }
0x3: {  	_ = 	snop  }
0x4: {  	_ = 	snop  }
0x5: {  	_ = 	snop  }
0x6: {  	_ = 	snop  }
0x7: {  	_ = 	snop  }
__scs_overlays_trampoline_lowered:
0x8: {  	[smem:$0x3FAF] =	sst s0  }
0x9: {  	[smem:$0x3FB0] =	sst s1  }
0xa: {  	[smem:$0x3FB1] =	sst s2  }
0xb: {  	[smem:$0x3FB2] =	sst s3  }
0xc: {  	[smem:$0x3FB3] =	sst s4  }
0xd: {  	[smem:$0x3FB4] =	sst s5  }
0xe: {  	[smem:$0x3FB5] =	sst s6  }
0xf: {  	[smem:$0x3FB6] =	sst s7  }
0x10: {  	[smem:$0x3FB7] =	sst s8  }
0x11: {  	[smem:$0x3FB8] =	sst s9;
	s0 =	simm.s32 @!p0 $0x0  }
0x12: {  	s1 =	sld [smem:$0x3F9E];
	s0 =	simm.s32 @p0 $0x1  }
0x13: {  	[smem:$0x3FB9] =	sst s0;
	s0 =	simm.s32 @!p1 $0x0  }
0x14: {  	s2 =	sld [smem:$0x3F9D];
	s0 =	simm.s32 @p1 $0x1  }
0x15: {  	[smem:$0x3FBA] =	sst s0;
	s0 =	simm.s32 @!p2 $0x0  }
0x16: {  	s3 =	sld [smem:$0x3FDB];
	s0 =	simm.s32 @p2 $0x1  }
0x17: {  	s4 =	simm.s32 $0x1BF5;
	[smem:$0x3FBC] =	sst s0  }
0x18: {  	s0 =	sld [smem:$0x3F9F];
	_ =	swait.ge [sflag:s4], $0x0  }
0x19: {  	s7 =	sld [smem:$0x3FA0]  }
0x1a: {  	s8 =	sadd.s32 $0xFFFFE003, lr  }
0x1b: {  	s9 =	sadd.s32 $0xFFFFFEF7, lr;
	s5 =	simm.s32 $0xFFFFFFFF;
	p2 =	slt.u32 s8, $0xFFFFF086  }
0x1c: {  	p1 =	slt.u32 s9, $0xF7A;
	s5 =	simm.s32 @!p2 $0x0  }
0x1d: {  	s5 =	simm.s32 @p1 $0x1;
	p0 =	seq.s32 s7, s2  }
0x1e: {  	s7 =	smul.u32 @!p0 $0xF7A, s2;
	p2 =	seq.s32 @!p0 s5, $0x0  }
0x1f: {  	s9 =	smul.u32 $0xF7A, s1;
	s8 =	simm.s32 @!p0 $0x1BF5;
	p2 =	por !p2, p0  }
0x20: {  	[sflag:s8] =	ssyncset.s32 @!p0 $0xFFFFF086;
	s6 =	sadd.s32 @!p0 s3, s7;
	s7 =	simm.s32 @!p0 $0x108  }
0x21: {  	s3 =	sadd.s32 s3, s9;
	s6 =	sadd.s32 @!p0 $0x88, s6;
	s7 =	simm.s32 @p2 $0x1082  }
0x22: {  	[simem:s7], [sflag:s8] =	dma.local @!p0 [hbm:s6], $0xF7A  }
0x23: {  	s9 =	sor.u32 $0xD0000000, s2;
	s6 =	simm.s32 $0x108;
	_ =	swait.ge @!p0 [sflag:s8], $0x0  }
0x24: {  	s3 =	sadd.s32 $0x88, s3;
	s6 =	simm.s32 @!p1 $0x1082;
	[sflag:s4] =	ssyncset.s32 $0xFFFFF086  }
0x25: {  	[simem:s6], [sflag:s4] =	dma.local [hbm:s3], $0xF7A  }
0x26: {  	[smem:$0x3FA0] =	sst s1;
	(tag) =	ssettag s2;
	_ =	strace s9  }
0x27: {  	s1 =	sld [smem:$0x3FB0]  }
0x28: {  	s2 =	sld [smem:$0x3FB1]  }
0x29: {  	s4 =	sld [smem:$0x3FB3]  }
0x2a: {  	p0 =	seq.s32 s5, $0x0;
	s5 =	sld [smem:$0x3FB4]  }
0x2b: {  	s6 =	sld [smem:$0x3FB5]  }
0x2c: {  	s7 =	sld [smem:$0x3FB6]  }
0x2d: {  	s3 =	simm.s32 $0x108;
	s8 =	sld [smem:$0x3FB7]  }
0x2e: {  	s3 =	simm.s32 @!p0 $0x1082;
	s9 =	sld [smem:$0x3FB8]  }
0x2f: {  	lr =	sadd.s32 s0, s3;
	s0 =	sld [smem:$0x3FAF]  }
0x30: {  	s3 =	sld [smem:$0x3FB2]  }
0x31: {  	[smem:$0x3FBB] =	sst s10  }
0x32: {  	s10 =	sld [smem:$0x3FB9];
	_ =	sdelay $0x3  }
0x33: {  	p0 =	seq.s32 s10, $0x1;
	s10 =	sld [smem:$0x3FBB];
	_ =	sdelay $0x3  }
0x34: {  	[smem:$0x3FBB] =	sst s10  }
0x35: {  	s10 =	sld [smem:$0x3FBA];
	_ =	sdelay $0x3  }
0x36: {  	p1 =	seq.s32 s10, $0x1;
	s10 =	sld [smem:$0x3FBB];
	_ =	sdelay $0x3  }
0x37: {  	[smem:$0x3FBB] =	sst s10  }
0x38: {  	s10 =	sld [smem:$0x3FBC]  }
0x39: {  	_ = 	snop;
	(pc) =	sbr.ind lr, $3  }
0x3a: {  	_ = 	snop  }
0x3b: {  	_ = 	snop  }
0x3c: {  	p2 =	seq.s32 s10, $0x1;
	s10 =	sld [smem:$0x3FBB]  }
0x3d: {  	_ =	shalt  }
0x3e: {  	_ =	shalt  }
0x3f: {  	_ =	shalt  }
0x40: {  	_ =	shalt  }
0x41: {  	_ =	shalt  }
0x42: {  	_ =	shalt  }
0x43: {  	_ =	shalt  }
0x44: {  	_ =	shalt  }
0x45: {  	_ =	shalt  }
0x46: {  	_ =	shalt  }
0x47: {  	_ =	shalt  }
0x48: {  	_ =	shalt  }
0x49: {  	_ =	shalt  }
0x4a: {  	_ =	shalt  }
0x4b: {  	_ =	shalt  }
0x4c: {  	_ =	shalt  }
0x4d: {  	_ =	shalt  }
0x4e: {  	_ =	shalt  }
0x4f: {  	_ =	shalt  }
0x50: {  	_ =	shalt  }
0x51: {  	_ =	shalt  }
0x52: {  	_ =	shalt  }
0x53: {  	_ =	shalt  }
0x54: {  	_ =	shalt  }
0x55: {  	_ =	shalt  }
0x56: {  	_ =	shalt  }
0x57: {  	_ =	shalt  }
0x58: {  	_ =	shalt  }
0x59: {  	_ =	shalt  }
0x5a: {  	_ =	shalt  }
0x5b: {  	_ =	shalt  }
0x5c: {  	_ =	shalt  }
0x5d: {  	_ =	shalt  }
0x5e: {  	_ =	shalt  }
0x5f: {  	_ =	shalt  }
0x60: {  	_ =	shalt  }
0x61: {  	_ =	shalt  }
0x62: {  	_ =	shalt  }
0x63: {  	_ =	shalt  }
0x64: {  	_ =	shalt  }
0x65: {  	_ =	shalt  }
0x66: {  	_ =	shalt  }
0x67: {  	_ =	shalt  }
0x68: {  	_ =	shalt  }
0x69: {  	_ =	shalt  }
0x6a: {  	_ =	shalt  }
0x6b: {  	_ =	shalt  }
0x6c: {  	_ =	shalt  }
0x6d: {  	_ =	shalt  }
0x6e: {  	_ =	shalt  }
0x6f: {  	_ =	shalt  }
0x70: {  	_ =	shalt  }
0x71: {  	_ =	shalt  }
0x72: {  	_ =	shalt  }
0x73: {  	_ =	shalt  }
0x74: {  	_ =	shalt  }
0x75: {  	_ =	shalt  }
0x76: {  	_ =	shalt  }
0x77: {  	_ =	shalt  }
0x78: {  	_ =	shalt  }
0x79: {  	_ =	shalt  }
0x7a: {  	_ =	shalt  }
0x7b: {  	_ =	shalt  }
0x7c: {  	_ =	shalt  }
0x7d: {  	_ =	shalt  }
0x7e: {  	_ =	shalt  }
0x7f: {  	_ =	shalt  }
0x80: {  	_ =	shalt  }
0x81: {  	_ =	shalt  }
0x82: {  	_ =	shalt  }
0x83: {  	_ =	shalt  }
0x84: {  	_ =	shalt  }
0x85: {  	_ =	shalt  }
0x86: {  	_ =	shalt  }
0x87: {  	_ =	shalt  }
.Lfunc_end0:
.L_simem_size_0:
called_computation.2_lowered:
.L_overlay_start_0:
0x88: {  	s2 =	sld [smem:$0x3FD9]  }
0x89: {  	s3 =	sld [smem:$0x3FFE];
	_ =	sdelay $0x1  }
0x8a: {  	s1 =	srdreg.scid  }
0x8b: {  	s0 =	sand.u32 $0x1, s1  }
0x8c: {  	s14 =	sshll.u32 s0, $0xA;
	s2 =	sadd.s32 s3, s2  }
0x8d: {  	s2 =	sadd.s32 s2, s14  }
0x8e: {  	[smem:$0x3FC7] =	sst s2  }
0x8f: {  	_ = 	snop  }
0x90: {  	s2 =	sld [smem:$0x3FD0];
	_ =	sdelay $0x2  }
0x91: {  	s15 =	simm.s32 $0xA;
	s4 =	simm.s32 $0x10  }
0x92: {  	[smem:s4], [sflag:s15] =	dma.local [hbm:s2], $0x1  }
0x93: {  	_ =	swait.eq [sflag:s15], $0x1  }
0x94: {  	[sflag:s15] =	ssyncset.done $0x0  }
0x95: {  	[sflag:s15] =	ssyncadd.s32 $0xFFFFFFFF  }
0x96: {  	s16 =	sld [smem:$0x11];
	(tm) =	ssettm $0x1  }
0x97: {  	s17 =	sld [smem:$0x3FFB];
	_ =	sdelay $0x3  }
0x98: {  	_ =	strace s17  }
0x99: {  	s3 =	sld [smem:$0x3FFC];
	_ =	sdelay $0x3  }
0x9a: {  	_ =	strace s3  }
0x9b: {  	s3 =	sld [smem:$0x3FFD];
	_ =	sdelay $0x3  }
0x9c: {  	_ =	strace s3  }
0x9d: {  	_ =	strace $0x8FFFFFFF  }
0x9e: {  	s18 =	sld [smem:$0x3FDB];
	_ =	sdelay $0x1  }
0x9f: {  	s19 =	simm.s32 $_scs_section_size  }
0xa0: {  	s5 =	simm.s32 $_size__tile_overlayer_lowered;
	s6 =	simm.s32 $_tile_overlayer_lowered  }
0xa1: {  	s22 =	simm.s32 $0x1BFF;
	s21 =	sshll.u32 s6, $0x1;
	s3 =	sadd.s32 s19, s18  }
0xa2: {  	s7 =	simm.s32 $0x0;
	s20 =	sshll.u32 s5, $0x1;
	s5 =	sadd.s32 s21, s3  }
0xa3: {  	[timem:s7], [sflag:s22] =	dma.local [hbm:s5], s20  }
0xa4: {  	_ =	swait.ge [sflag:s22], s20  }
0xa5: {  	s4 =	ssub.s32 $0x0, s20;
	[sflag:s22] =	ssyncset.done $0x0  }
0xa6: {  	[sflag:s22] =	ssyncadd.s32 s4;
	_ =	sdelay $0x1  }
0xa7: {  	s23 =	simm.s32 $0x1B8B  }
0xa8: {  	_ =	swait.ge [sflag:s23], $0x1  }
0xa9: {  	[sflag:s23] =	ssyncset.done $0x0  }
0xaa: {  	s25 =	simm.s32 $0x1B8E;
	s24 =	sld [smem:$0x3FFE];
	[sflag:s23] =	ssyncadd.s32 $0xFFFFFFFF  }
0xab: {  	s26 =	simm.s32 $execute0_lowered;
	[smem:$0x3FD2] =	sst s25  }
0xac: {  	s5 =	sshll.u32 s26, $0x1;
	_ =	strace $0x8000004C;
	[dreg:$0x1] =	wrdreg $0xFFFFFFFF  }
0xad: {  	s28 =	simm.s32 $_size_execute0_lowered;
	s3 =	sadd.s32 s3, s5;
	[dreg:$0x0] =	wrdreg $0x0  }
0xae: {  	s5 =	sshll.u32 s28, $0x1;
	[dreg:$0x2] =	wrdreg s3  }
0xaf: {  	[dreg:$0x3] =	wrdreg s5  }
0xb0: {  	[dreg:$0x4] =	wrdreg $0xC0  }
0xb1: {  	_ =	task [dreg:s7], $0x5FFFF  }
0xb2: {  	[dreg:$0x1] =	wrdreg $0xFFFFFFFF  }
0xb3: {  	[dreg:$0x0] =	wrdreg $0x60  }
0xb4: {  	[dreg:$0x2] =	wrdreg s24  }
0xb5: {  	[dreg:$0x3] =	wrdreg s16  }
0xb6: {  	[dreg:$0x4] =	wrdreg $0x9  }
0xb7: {  	_ =	task.clear_ibuf [dreg:s7], $0x5FFFF;
	_ =	strace $0x9000004C  }
0xb8: {  	s29 =	simm.s32 $0x9;
	_ =	strace $0x8000004E  }
0xb9: {  	_ =	swait.ge [sflag:s29], $0x1  }
0xba: {  	[sflag:s29] =	ssyncadd.s32 $0xFFFFFFFF  }
0xbb: {  	_ =	strace $0x9000004E  }
0xbc: {  	_ =	sfence  }
0xbd: {  	s30 =	sld [smem:$0x0];
	_ =	sdelay $0x2  }
0xbe: {  	s31 =	sshll.u32 s1, $0xD;
	s1 =	sshrl.u32 s1, $0x2  }
0xbf: {  	s3 =	sand.u32 $0x4000, s31;
	s1 =	sadd.s32 s1, s30  }
0xc0: {  	s0 =	sor.u32 s3, s0;
	s1 =	sshll.u32 s1, $0x11  }
0xc1: {  	s0 =	sor.u32 s1, s0  }
0xc2: {  	s0 =	sadd.s32 $0x8F2B, s0  }
0xc3: {  	[sflag:s0] =	ssyncadd.remote.s32 $0x1  }
0xc4: {  	_ =	sfence.sel $0xFFFF  }
0xc5: {  	[dreg:$0x0] =	wrdreg $0xFFFFFFFF;
	(pc) =	sbr.abs _section_cstart, $3  }
0xc6: {  	[dreg:$0x1] =	wrdreg $0xFFFFFFFF  }
0xc7: {  	_ =	task.clear_ibuf [dreg:s7], $0x2FFFF;
	_ =	strace $0x9FFFFFFF  }
0xc8: {  	(tm) =	ssettm $0x7FFFFFFF  }
0xc9: {  	_ =	shalt  }
tec
execute0_lowered:
.L_overlay_start_1:
0x0: {  	(tag) =	ssettag $0x1  }
0x1: {  	s3 =	rddreg [dreg:$0x0]  }
0x2: {  	s0 =	srdreg.scid;
	s6 =	rddreg [dreg:$0x1];
	s2 =	simm.s32 $0x0  }
0x3: {  	s11 =	simm.s32 $0x7C00;
	s12 =	simm.s32 $0x8C00;
	s13 =	simm.s32 $0x10800  }
0x4: {  	s14 =	simm.s32 $0x1;
	s15 =	simm.s32 $0x0;
	s4 =	sand.u32 $0x1, s0  }
0x5: {  	s0 =	stileid.u32;
	[smem:$0x7FF] =	sst s2;
	s1 =	sshll.u32 s4, $0x4  }
0x6: {  	s8 =	ssub.s32 $0x2, s4;
	s30 =	sshll.u32 s0, $0x4;
	s10 =	smul.u32 $0x7C000, s4  }
0x7: {  	s31 =	smul.u32 $0x7C00, s0;
	s5 =	sor.u32 s0, s1;
	s1 =	rddreg [dreg:$0x2]  }
0x8: {  	_ =	strace $0x8000004D;
	s9 =	sshrl.u32 s8, $0x1;
	s7 =	smul.u32 $0x7C00, s5  }
0x9: {  	s8 =	ssub.s32 s8, s9;
	s5 =	sshll.u32 s5, $0x9;
	s9 =	sand.u32 $0x70, s30  }
0xa: {  	s5 =	sand.u32 $0x3000, s5;
	s6 =	sadd.s32 s6, s9;
	s9 =	simm.s32 $0x80  }
0xb: {  	s7 =	sshrl.u32 s7, $0x3;
	s5 =	sadd.s32 s5, s6;
	s6 =	smax.u32 s8, $0x1  }
0xc: {  	v0 =	vlaneseq.u32;
	s8 =	simm.s32 $0x2;
	s7 =	sadd.s32 s7, s3;
	s3 =	sadd.s32 $0x21200, s3  }
0xd: {  	v0 =	vadd.s32 $0x1, v0;
	s4 =	sadd.s32 $0x2200, s7;
	s7 =	sadd.s32 s31, s10;
	s10 =	simm.s32 $0x400  }
.LBB2_1:
0xe: {  	[tilespmem:s2], [sflag:$0x2] =	stream.linear.gather [hbm4b:s4+s2], $0x7C00, $0x38;
	[tilespmem:$0x18400] =	vst v63  }
0xf: {  	_ =	swait.ge [sflag:s8], $0x7C00  }
0x10: {  	[sflag:s8] =	ssyncset.done $0x0  }
0x11: {  	[sflag:s8] =	ssyncadd.s32 $0xFFFF8400  }
0x12: {  	[tilespmem:s11], [sflag:$0x2] =	stream.strided.gather [hbm4b:s5+s9], $0x1000, s10, s9, $0x38;
	[tilespmem:$0x18400] =	vst v63  }
0x13: {  	_ =	swait.ge [sflag:s8], $0x1000  }
0x14: {  	[sflag:s8] =	ssyncset.done $0x0  }
0x15: {  	s16 =	simm.s32 $0x0;
	[sflag:s8] =	ssyncadd.s32 $0xFFFFF000  }
0x16: {  	v1 =	vld [tilespmem:s16+$0x0];
	_ =	sdelay $0x4  }
0x17: {  	v2 =	vand.u32 $0xFFF, v1  }
0x18: {  	(xrf1) =	vunique.msk.u32 $0xffff, v2;
	_ =	sdelay $0xd  }
0x19: {  	v3 =	vld.idx.msk [tilespmem:v2+s11+$0x0], $0xffff;
	_, v4, vm0 =	vpop (xrf1);
	_ =	sdelay $0x2  }
0x1a: {  	v5 =	vmov s7  }
0x1b: {  	v62 =	vadd.s32 s7, v0;
	vm1 =	vlt.u32 v5, $0xF4240;
	v1 =	vshll.u32 v1, $0x8  }
0x1c: {  	v63 =	vnsel vm1, $0x0, v62;
	v1 =	vand.u32 $0xFFF00000, v1;
	v3 =	vadd.s32 v3, v4  }
0x1d: {  	s18 =	simm.s32 $0x80;
	s19 =	simm.s32 $0x10;
	s17 =	smov.u32 s7;
	v1 =	vor.u32 v63, v1;
	[tilespmem:v2+s11+$0x0] =	vst.idx.msk vm0, v3;
	v2 =	vadd.s32 $0xFFFFFFFF, v3  }
.LBB2_2:
0x1e: {  	p0 =	sne.s32 s18, $0x1EFC0  }
0x1f: {  	v3 =	vld [tilespmem:s19+$0x0];
	[tilespmem:s16+$0x8C00] =	vst v2;
	s17 =	sadd.s32 $0x10, s17;
	s20 =	smov.u32 s18;
	s18 =	sadd.s32 $0x40, s18  }
0x20: {  	[tilespmem:s16+$0x10800] =	vst v1;
	s16 =	smov.u32 s19;
	_ =	sdelay $0x3  }
0x21: {  	v1 =	vand.u32 $0xFFF, v3;
	v2 =	vshll.u32 v3, $0x8  }
0x22: {  	v3 =	vand.u32 $0xFFF00000, v2;
	(xrf1) =	vunique.msk.u32 $0xffff, v1;
	_ =	sdelay $0xc  }
0x23: {  	v2 =	vld.idx.msk [tilespmem:v1+s11+$0x0], $0xffff  }
0x24: {  	_, v4, vm0 =	vpop (xrf1);
	_ =	sdelay $0x1  }
.Ltmp0:
0x25: {  	(pc) =	sbr.rel @p0 .LBB2_2-.Ltmp0, $4  }
0x26: {  	v5 =	vmov s17  }
0x27: {  	vm1 =	vlt.u32 v5, $0xF4240;
	v5 =	vadd.s32 s17, v0  }
0x28: {  	v2 =	vadd.s32 v2, v4;
	v4 =	vnsel vm1, $0x0, v5  }
0x29: {  	s19 =	sshra.s32 s20, $0x2;
	[tilespmem:v1+s11+$0x0] =	vst.idx.msk vm0, v2;
	v2 =	vadd.s32 $0xFFFFFFFF, v2;
	v1 =	vor.u32 v4, v3  }
0x2a: {  	v3 =	vld [tilespmem:s19+$0x0];
	_ =	sdelay $0x4  }
0x2b: {  	v4 =	vand.u32 $0xFFF, v3  }
0x2c: {  	(xrf1) =	vunique.msk.u32 $0xffff, v4;
	_ =	sdelay $0xb  }
0x2d: {  	[tilespmem:s16+$0x8C00] =	vst v2  }
0x2e: {  	[tilespmem:s16+$0x10800] =	vst v1  }
0x2f: {  	v1 =	vld.idx.msk [tilespmem:v4+s11+$0x0], $0xffff;
	_, v2, vm0 =	vpop (xrf1);
	_ =	sdelay $0x2  }
0x30: {  	s31 =	sadd.s32 $0x10, s17  }
0x31: {  	v5 =	vmov s31;
	v63 =	vadd.s32 s31, v0  }
0x32: {  	vm1 =	vlt.u32 v5, $0xF4240;
	v3 =	vshll.u32 v3, $0x8;
	v1 =	vadd.s32 v1, v2  }
0x33: {  	s15 =	sadd.s32 $0x1, s15;
	v2 =	vand.u32 $0xFFF00000, v3;
	v3 =	vnsel vm1, $0x0, v63;
	[tilespmem:v4+s11+$0x0] =	vst.idx.msk vm0, v1;
	v1 =	vadd.s32 $0xFFFFFFFF, v1  }
0x34: {  	p0 =	sne.s32 s15, s6;
	v2 =	vor.u32 v3, v2;
	[tilespmem:s19+$0x8C00] =	vst v1  }
.Ltmp1:
0x35: {  	[tilespmem:s19+$0x10800] =	vst v2;
	(pc) =	sbr.rel @p0 .LBB2_1-.Ltmp1, $4  }
0x36: {  	[hbm4b:s3+s11] =	stream.indirect.scatter [tilespmem:s13], [sflag:$0x1], $0x1, s12, s11, $0xb8;
	[tilespmem:$0x18400] =	vst v63  }
0x37: {  	_ =	swait.ge [sflag:s14], $0x7C00  }
0x38: {  	[sflag:s14] =	ssyncset.done $0x0  }
0x39: {  	[sflag:s14] =	ssyncadd.s32 $0xFFFF8400  }
0x3a: {  	_ =	sfence.sel $0x180000  }
0x3b: {  	[bflag:$0x0] =	sbarrier.arrive $0xFFFF  }
0x3c: {  	p0 =	sne.s32 s0, $0x0;
	_ =	strace $0x9000004D  }
0x3d: {  	s0 =	sadd.s32 @!p0 $0x100000, s1;
	[bflag:$0x2] =	sbarrier.arrive $0xFFFF  }
0x3e: {  	[sflag:s0] =	ssyncadd.tile.s32 @!p0 $0x1;
	_ =	shalt  }
.Lfunc_end2:
_tile_overlayer_lowered:
.L_overlay_start_2:
0x3f: {  	(tag) =	ssettag $0x2  }
0x40: {  	s0 =	rddreg [dreg:$0x0];
	s2 =	stileid.u32  }
0x41: {  	s1 =	rddreg [dreg:$0x1];
	p0 =	sne.s32 s2, $0x0  }
0x42: {  	s3 =	rddreg [dreg:$0x2];
	[bflag:$0x3] =	sbarrier.arrive $0xFFFF;
	s2 =	simm.s32 @!p0 $0x1C02  }
0x43: {  	[timem:s3], [sflag:s2] =	dma.local @!p0 [hbm:s0], s1  }
0x44: {  	s0 =	simm.s32 @!p0 $0x2  }
0x45: {  	_ =	swait.ge @!p0 [sflag:s0], s1  }
0x46: {  	s1 =	ssub.s32 @!p0 $0x0, s1;
	[sflag:s0] =	ssyncset.done @!p0 $0x0  }
0x47: {  	[sflag:s0] =	ssyncadd.s32 @!p0 s1  }
0x48: {  	[bflag:$0x3] =	sbarrier.arrive $0xFFFF  }
0x49: {  	_ =	shalt  }

// kernel: kernel.18.cloned.1.call-start
scs
__scs_entry_jumppad:
0x0: {  	(pc) =	sbr.rel $0x88, $3  }
0x1: {  	(tag) =	ssettag $0x0;
	lr =	simm.s32 $0x1  }
0x2: {  	[smem:$0x3FA0] =	sst lr;
	_ =	strace $0xD0000000  }
0x3: {  	_ = 	snop  }
0x4: {  	_ = 	snop  }
0x5: {  	_ = 	snop  }
0x6: {  	_ = 	snop  }
0x7: {  	_ = 	snop  }
__scs_overlays_trampoline_lowered:
0x8: {  	[smem:$0x3FAF] =	sst s0  }
0x9: {  	[smem:$0x3FB0] =	sst s1  }
0xa: {  	[smem:$0x3FB1] =	sst s2  }
0xb: {  	[smem:$0x3FB2] =	sst s3  }
0xc: {  	[smem:$0x3FB3] =	sst s4  }
0xd: {  	[smem:$0x3FB4] =	sst s5  }
0xe: {  	[smem:$0x3FB5] =	sst s6  }
0xf: {  	[smem:$0x3FB6] =	sst s7  }
0x10: {  	[smem:$0x3FB7] =	sst s8  }
0x11: {  	[smem:$0x3FB8] =	sst s9;
	s0 =	simm.s32 @!p0 $0x0  }
0x12: {  	s1 =	sld [smem:$0x3F9E];
	s0 =	simm.s32 @p0 $0x1  }
0x13: {  	[smem:$0x3FB9] =	sst s0;
	s0 =	simm.s32 @!p1 $0x0  }
0x14: {  	s2 =	sld [smem:$0x3F9D];
	s0 =	simm.s32 @p1 $0x1  }
0x15: {  	[smem:$0x3FBA] =	sst s0;
	s0 =	simm.s32 @!p2 $0x0  }
0x16: {  	s3 =	sld [smem:$0x3FDB];
	s0 =	simm.s32 @p2 $0x1  }
0x17: {  	s4 =	simm.s32 $0x1BF5;
	[smem:$0x3FBC] =	sst s0  }
0x18: {  	s0 =	sld [smem:$0x3F9F];
	_ =	swait.ge [sflag:s4], $0x0  }
0x19: {  	s7 =	sld [smem:$0x3FA0]  }
0x1a: {  	s8 =	sadd.s32 $0xFFFFE003, lr  }
0x1b: {  	s9 =	sadd.s32 $0xFFFFFEF7, lr;
	s5 =	simm.s32 $0xFFFFFFFF;
	p2 =	slt.u32 s8, $0xFFFFF086  }
0x1c: {  	p1 =	slt.u32 s9, $0xF7A;
	s5 =	simm.s32 @!p2 $0x0  }
0x1d: {  	s5 =	simm.s32 @p1 $0x1;
	p0 =	seq.s32 s7, s2  }
0x1e: {  	s7 =	smul.u32 @!p0 $0xF7A, s2;
	p2 =	seq.s32 @!p0 s5, $0x0  }
0x1f: {  	s9 =	smul.u32 $0xF7A, s1;
	s8 =	simm.s32 @!p0 $0x1BF5;
	p2 =	por !p2, p0  }
0x20: {  	[sflag:s8] =	ssyncset.s32 @!p0 $0xFFFFF086;
	s6 =	sadd.s32 @!p0 s3, s7;
	s7 =	simm.s32 @!p0 $0x108  }
0x21: {  	s3 =	sadd.s32 s3, s9;
	s6 =	sadd.s32 @!p0 $0x88, s6;
	s7 =	simm.s32 @p2 $0x1082  }
0x22: {  	[simem:s7], [sflag:s8] =	dma.local @!p0 [hbm:s6], $0xF7A  }
0x23: {  	s9 =	sor.u32 $0xD0000000, s2;
	s6 =	simm.s32 $0x108;
	_ =	swait.ge @!p0 [sflag:s8], $0x0  }
0x24: {  	s3 =	sadd.s32 $0x88, s3;
	s6 =	simm.s32 @!p1 $0x1082;
	[sflag:s4] =	ssyncset.s32 $0xFFFFF086  }
0x25: {  	[simem:s6], [sflag:s4] =	dma.local [hbm:s3], $0xF7A  }
0x26: {  	[smem:$0x3FA0] =	sst s1;
	(tag) =	ssettag s2;
	_ =	strace s9  }
0x27: {  	s1 =	sld [smem:$0x3FB0]  }
0x28: {  	s2 =	sld [smem:$0x3FB1]  }
0x29: {  	s4 =	sld [smem:$0x3FB3]  }
0x2a: {  	p0 =	seq.s32 s5, $0x0;
	s5 =	sld [smem:$0x3FB4]  }
0x2b: {  	s6 =	sld [smem:$0x3FB5]  }
0x2c: {  	s7 =	sld [smem:$0x3FB6]  }
0x2d: {  	s3 =	simm.s32 $0x108;
	s8 =	sld [smem:$0x3FB7]  }
0x2e: {  	s3 =	simm.s32 @!p0 $0x1082;
	s9 =	sld [smem:$0x3FB8]  }
0x2f: {  	lr =	sadd.s32 s0, s3;
	s0 =	sld [smem:$0x3FAF]  }
0x30: {  	s3 =	sld [smem:$0x3FB2]  }
0x31: {  	[smem:$0x3FBB] =	sst s10  }
0x32: {  	s10 =	sld [smem:$0x3FB9];
	_ =	sdelay $0x3  }
0x33: {  	p0 =	seq.s32 s10, $0x1;
	s10 =	sld [smem:$0x3FBB];
	_ =	sdelay $0x3  }
0x34: {  	[smem:$0x3FBB] =	sst s10  }
0x35: {  	s10 =	sld [smem:$0x3FBA];
	_ =	sdelay $0x3  }
0x36: {  	p1 =	seq.s32 s10, $0x1;
	s10 =	sld [smem:$0x3FBB];
	_ =	sdelay $0x3  }
0x37: {  	[smem:$0x3FBB] =	sst s10  }
0x38: {  	s10 =	sld [smem:$0x3FBC]  }
0x39: {  	_ = 	snop;
	(pc) =	sbr.ind lr, $3  }
0x3a: {  	_ = 	snop  }
0x3b: {  	_ = 	snop  }
0x3c: {  	p2 =	seq.s32 s10, $0x1;
	s10 =	sld [smem:$0x3FBB]  }
0x3d: {  	_ =	shalt  }
0x3e: {  	_ =	shalt  }
0x3f: {  	_ =	shalt  }
0x40: {  	_ =	shalt  }
0x41: {  	_ =	shalt  }
0x42: {  	_ =	shalt  }
0x43: {  	_ =	shalt  }
0x44: {  	_ =	shalt  }
0x45: {  	_ =	shalt  }
0x46: {  	_ =	shalt  }
0x47: {  	_ =	shalt  }
0x48: {  	_ =	shalt  }
0x49: {  	_ =	shalt  }
0x4a: {  	_ =	shalt  }
0x4b: {  	_ =	shalt  }
0x4c: {  	_ =	shalt  }
0x4d: {  	_ =	shalt  }
0x4e: {  	_ =	shalt  }
0x4f: {  	_ =	shalt  }
0x50: {  	_ =	shalt  }
0x51: {  	_ =	shalt  }
0x52: {  	_ =	shalt  }
0x53: {  	_ =	shalt  }
0x54: {  	_ =	shalt  }
0x55: {  	_ =	shalt  }
0x56: {  	_ =	shalt  }
0x57: {  	_ =	shalt  }
0x58: {  	_ =	shalt  }
0x59: {  	_ =	shalt  }
0x5a: {  	_ =	shalt  }
0x5b: {  	_ =	shalt  }
0x5c: {  	_ =	shalt  }
0x5d: {  	_ =	shalt  }
0x5e: {  	_ =	shalt  }
0x5f: {  	_ =	shalt  }
0x60: {  	_ =	shalt  }
0x61: {  	_ =	shalt  }
0x62: {  	_ =	shalt  }
0x63: {  	_ =	shalt  }
0x64: {  	_ =	shalt  }
0x65: {  	_ =	shalt  }
0x66: {  	_ =	shalt  }
0x67: {  	_ =	shalt  }
0x68: {  	_ =	shalt  }
0x69: {  	_ =	shalt  }
0x6a: {  	_ =	shalt  }
0x6b: {  	_ =	shalt  }
0x6c: {  	_ =	shalt  }
0x6d: {  	_ =	shalt  }
0x6e: {  	_ =	shalt  }
0x6f: {  	_ =	shalt  }
0x70: {  	_ =	shalt  }
0x71: {  	_ =	shalt  }
0x72: {  	_ =	shalt  }
0x73: {  	_ =	shalt  }
0x74: {  	_ =	shalt  }
0x75: {  	_ =	shalt  }
0x76: {  	_ =	shalt  }
0x77: {  	_ =	shalt  }
0x78: {  	_ =	shalt  }
0x79: {  	_ =	shalt  }
0x7a: {  	_ =	shalt  }
0x7b: {  	_ =	shalt  }
0x7c: {  	_ =	shalt  }
0x7d: {  	_ =	shalt  }
0x7e: {  	_ =	shalt  }
0x7f: {  	_ =	shalt  }
0x80: {  	_ =	shalt  }
0x81: {  	_ =	shalt  }
0x82: {  	_ =	shalt  }
0x83: {  	_ =	shalt  }
0x84: {  	_ =	shalt  }
0x85: {  	_ =	shalt  }
0x86: {  	_ =	shalt  }
0x87: {  	_ =	shalt  }
.Lfunc_end0:
.L_simem_size_0:
called_computation.3_lowered:
.L_overlay_start_0:
0x88: {  	s2 =	sld [smem:$0x3FD9]  }
0x89: {  	s3 =	sld [smem:$0x3FFE];
	_ =	sdelay $0x1  }
0x8a: {  	s1 =	srdreg.scid  }
0x8b: {  	s0 =	sand.u32 $0x1, s1  }
0x8c: {  	s14 =	sshll.u32 s0, $0xA;
	s2 =	sadd.s32 s3, s2  }
0x8d: {  	s2 =	sadd.s32 s2, s14  }
0x8e: {  	[smem:$0x3FC7] =	sst s2  }
0x8f: {  	_ = 	snop  }
0x90: {  	s2 =	sld [smem:$0x3FD0];
	_ =	sdelay $0x2  }
0x91: {  	s15 =	simm.s32 $0xA;
	s4 =	simm.s32 $0x10  }
0x92: {  	[smem:s4], [sflag:s15] =	dma.local [hbm:s2], $0x1  }
0x93: {  	_ =	swait.eq [sflag:s15], $0x1  }
0x94: {  	[sflag:s15] =	ssyncset.done $0x0  }
0x95: {  	[sflag:s15] =	ssyncadd.s32 $0xFFFFFFFF  }
0x96: {  	s16 =	sld [smem:$0x10];
	(tm) =	ssettm $0x1  }
0x97: {  	s17 =	sld [smem:$0x3FFB];
	_ =	sdelay $0x3  }
0x98: {  	_ =	strace s17  }
0x99: {  	s3 =	sld [smem:$0x3FFC];
	_ =	sdelay $0x3  }
0x9a: {  	_ =	strace s3  }
0x9b: {  	s3 =	sld [smem:$0x3FFD];
	_ =	sdelay $0x3  }
0x9c: {  	_ =	strace s3  }
0x9d: {  	_ =	strace $0x8FFFFFFF  }
0x9e: {  	s18 =	sld [smem:$0x3FDB];
	_ =	sdelay $0x1  }
0x9f: {  	s19 =	simm.s32 $_scs_section_size  }
0xa0: {  	s5 =	simm.s32 $_size__tile_overlayer_lowered;
	s6 =	simm.s32 $_tile_overlayer_lowered  }
0xa1: {  	s22 =	simm.s32 $0x1BFF;
	s21 =	sshll.u32 s6, $0x1;
	s3 =	sadd.s32 s19, s18  }
0xa2: {  	s7 =	simm.s32 $0x0;
	s20 =	sshll.u32 s5, $0x1;
	s5 =	sadd.s32 s21, s3  }
0xa3: {  	[timem:s7], [sflag:s22] =	dma.local [hbm:s5], s20  }
0xa4: {  	_ =	swait.ge [sflag:s22], s20  }
0xa5: {  	s4 =	ssub.s32 $0x0, s20;
	[sflag:s22] =	ssyncset.done $0x0  }
0xa6: {  	[sflag:s22] =	ssyncadd.s32 s4;
	_ =	sdelay $0x1  }
0xa7: {  	s23 =	simm.s32 $0x1B8B  }
0xa8: {  	_ =	swait.ge [sflag:s23], $0x1  }
0xa9: {  	[sflag:s23] =	ssyncset.done $0x0  }
0xaa: {  	s25 =	simm.s32 $0x1B8E;
	s24 =	sld [smem:$0x3FFE];
	[sflag:s23] =	ssyncadd.s32 $0xFFFFFFFF  }
0xab: {  	s26 =	simm.s32 $execute0_lowered;
	[smem:$0x3FD2] =	sst s25  }
0xac: {  	s5 =	sshll.u32 s26, $0x1;
	_ =	strace $0x8000004F;
	[dreg:$0x1] =	wrdreg $0xFFFFFFFF  }
0xad: {  	s28 =	simm.s32 $_size_execute0_lowered;
	s3 =	sadd.s32 s3, s5;
	[dreg:$0x0] =	wrdreg $0x0  }
0xae: {  	s5 =	sshll.u32 s28, $0x1;
	[dreg:$0x2] =	wrdreg s3  }
0xaf: {  	[dreg:$0x3] =	wrdreg s5  }
0xb0: {  	[dreg:$0x4] =	wrdreg $0xC0  }
0xb1: {  	_ =	task [dreg:s7], $0x5FFFF  }
0xb2: {  	[dreg:$0x1] =	wrdreg $0xFFFFFFFF  }
0xb3: {  	[dreg:$0x0] =	wrdreg $0x60  }
0xb4: {  	[dreg:$0x2] =	wrdreg s24  }
0xb5: {  	[dreg:$0x3] =	wrdreg s16  }
0xb6: {  	[dreg:$0x4] =	wrdreg $0x9  }
0xb7: {  	_ =	task.clear_ibuf [dreg:s7], $0x5FFFF;
	_ =	strace $0x9000004F  }
0xb8: {  	s29 =	simm.s32 $0x9;
	_ =	strace $0x80000051  }
0xb9: {  	_ =	swait.ge [sflag:s29], $0x1  }
0xba: {  	[sflag:s29] =	ssyncadd.s32 $0xFFFFFFFF  }
0xbb: {  	_ =	strace $0x90000051  }
0xbc: {  	_ =	sfence  }
0xbd: {  	s30 =	sld [smem:$0x0];
	_ =	sdelay $0x2  }
0xbe: {  	s31 =	sshll.u32 s1, $0xD;
	s1 =	sshrl.u32 s1, $0x2  }
0xbf: {  	s3 =	sand.u32 $0x4000, s31;
	s1 =	sadd.s32 s1, s30  }
0xc0: {  	s0 =	sor.u32 s3, s0;
	s1 =	sshll.u32 s1, $0x11  }
0xc1: {  	s0 =	sor.u32 s1, s0  }
0xc2: {  	s0 =	sadd.s32 $0x8F2B, s0  }
0xc3: {  	[sflag:s0] =	ssyncadd.remote.s32 $0x1  }
0xc4: {  	_ =	sfence.sel $0xFFFF  }
0xc5: {  	[dreg:$0x0] =	wrdreg $0xFFFFFFFF;
	(pc) =	sbr.abs _section_cstart, $3  }
0xc6: {  	[dreg:$0x1] =	wrdreg $0xFFFFFFFF  }
0xc7: {  	_ =	task.clear_ibuf [dreg:s7], $0x2FFFF;
	_ =	strace $0x9FFFFFFF  }
0xc8: {  	(tm) =	ssettm $0x7FFFFFFF  }
0xc9: {  	_ =	shalt  }
tec
execute0_lowered:
.L_overlay_start_1:
0x0: {  	(tag) =	ssettag $0x1  }
0x1: {  	s0 =	srdreg.scid;
	s3 =	rddreg [dreg:$0x0]  }
0x2: {  	s5 =	rddreg [dreg:$0x1];
	s1 =	stileid.u32  }
0x3: {  	s2 =	simm.s32 $0x0;
	s4 =	sand.u32 $0x1, s0;
	s0 =	rddreg [dreg:$0x2]  }
0x4: {  	s9 =	simm.s32 $0x400;
	[smem:$0x7FF] =	sst s2;
	s6 =	sshll.u32 s4, $0x4  }
0x5: {  	s8 =	sshll.u32 s1, $0x4;
	_ =	strace $0x80000050;
	s6 =	sor.u32 s1, s6  }
0x6: {  	s4 =	ssub.s32 $0x2, s4;
	s31 =	sand.u32 $0x70, s8;
	s7 =	smul.u32 $0xF80, s6  }
0x7: {  	s8 =	simm.s32 $0x80;
	s29 =	sshrl.u32 s4, $0x1;
	s5 =	sadd.s32 s5, s31  }
0x8: {  	s30 =	sshll.u32 s6, $0x9;
	s6 =	simm.s32 $0x1;
	s3 =	sadd.s32 s7, s3  }
0x9: {  	s7 =	ssub.s32 s4, s29;
	s4 =	sand.u32 $0x3000, s30;
	s3 =	sadd.s32 $0x21200, s3  }
0xa: {  	v0 =	vimm.s32 $0x0;
	s4 =	sadd.s32 s4, s5;
	s5 =	smax.u32 s7, $0x1;
	s7 =	simm.s32 $0x7C00  }
.LBB2_1:
0xb: {  	s10 =	simm.s32 $0x40;
	s11 =	simm.s32 $0x0  }
.LBB2_2:
0xc: {  	p0 =	sne.s32 s10, $0x3FC0;
	[tilespmem:s11+$0x7C00] =	vst v0;
	s11 =	smov.u32 s10;
	s10 =	sadd.s32 $0x40, s10  }
.Ltmp0:
0xd: {  	(pc) =	sbr.rel @p0 .LBB2_2-.Ltmp0, $2  }
0xe: {  	_ =	sdelay $0x2  }
0xf: {  	s11 =	sshra.s32 s11, $0x2  }
0x10: {  	[tilespmem:s11+$0x7C00] =	vst v0;
	s10 =	simm.s32 $0x0  }
0x11: {  	[tilespmem:s10], [sflag:$0x1] =	stream.linear.gather [hbm4b:s3+s10], $0x7C00, $0x38;
	[tilespmem:$0x8C00] =	vst v63  }
0x12: {  	_ =	swait.ge [sflag:s6], $0x7C00  }
0x13: {  	[sflag:s6] =	ssyncset.done $0x0  }
0x14: {  	s11 =	simm.s32 $0x0;
	s10 =	simm.s32 $0x40;
	[sflag:s6] =	ssyncadd.s32 $0xFFFF8400  }
.LBB2_4:
0x15: {  	p0 =	sne.s32 s10, $0x1EFC0;
	v1 =	vld [tilespmem:s11+$0x0];
	_ =	sdelay $0x4  }
0x16: {  	v1 =	vshrl.u32 v1, $0x14  }
0x17: {  	(xrf1) =	vunique.msk.u32 $0xffff, v1;
	_ =	sdelay $0xd  }
0x18: {  	_, v2, vm0 =	vpop (xrf1);
	_ =	sdelay $0x1  }
.Ltmp1:
0x19: {  	(pc) =	sbr.rel @p0 .LBB2_4-.Ltmp1, $2  }
0x1a: {  	_ =	sdelay $0x2  }
0x1b: {  	s11 =	sshra.s32 s10, $0x2;
	s10 =	sadd.s32 $0x40, s10;
	[tilespmem:v1+s7+$0x0] =	vst.idx.add.s32.msk vm0, v2  }
0x1c: {  	v1 =	vld [tilespmem:s11+$0x0];
	_ =	sdelay $0x4  }
0x1d: {  	v1 =	vshrl.u32 v1, $0x14  }
0x1e: {  	(xrf1) =	vunique.msk.u32 $0xffff, v1;
	_ =	sdelay $0xd  }
0x1f: {  	_, v2, vm0 =	vpop (xrf1);
	_ =	sdelay $0x3  }
0x20: {  	s2 =	sadd.s32 $0x1, s2  }
0x21: {  	p0 =	sne.s32 s2, s5  }
.Ltmp2:
0x22: {  	[tilespmem:v1+s7+$0x0] =	vst.idx.add.s32.msk vm0, v2;
	(pc) =	sbr.rel @p0 .LBB2_1-.Ltmp2, $4  }
0x23: {  	[hbm4b:s4+s8] =	stream.strided.scatter [tilespmem:s7], [sflag:$0x1], $0x1000, s9, s8, $0x38;
	[tilespmem:$0x8C00] =	vst v63  }
0x24: {  	_ =	swait.ge [sflag:s6], $0x1000  }
0x25: {  	[sflag:s6] =	ssyncset.done $0x0  }
0x26: {  	[sflag:s6] =	ssyncadd.s32 $0xFFFFF000  }
0x27: {  	_ =	sfence.sel $0x180000  }
0x28: {  	[bflag:$0x0] =	sbarrier.arrive $0xFFFF  }
0x29: {  	p0 =	sne.s32 s1, $0x0;
	_ =	strace $0x90000050  }
0x2a: {  	s0 =	sadd.s32 @!p0 $0x100000, s0;
	[bflag:$0x2] =	sbarrier.arrive $0xFFFF  }
0x2b: {  	[sflag:s0] =	ssyncadd.tile.s32 @!p0 $0x1;
	_ =	shalt  }
.Lfunc_end2:
_tile_overlayer_lowered:
.L_overlay_start_2:
0x2c: {  	(tag) =	ssettag $0x2  }
0x2d: {  	s0 =	rddreg [dreg:$0x0];
	s2 =	stileid.u32  }
0x2e: {  	s1 =	rddreg [dreg:$0x1];
	p0 =	sne.s32 s2, $0x0  }
0x2f: {  	s3 =	rddreg [dreg:$0x2];
	[bflag:$0x3] =	sbarrier.arrive $0xFFFF;
	s2 =	simm.s32 @!p0 $0x1C01  }
0x30: {  	[timem:s3], [sflag:s2] =	dma.local @!p0 [hbm:s0], s1  }
0x31: {  	s0 =	simm.s32 @!p0 $0x1  }
0x32: {  	_ =	swait.ge @!p0 [sflag:s0], s1  }
0x33: {  	s1 =	ssub.s32 @!p0 $0x0, s1;
	[sflag:s0] =	ssyncset.done @!p0 $0x0  }
0x34: {  	[sflag:s0] =	ssyncadd.s32 @!p0 s1  }
0x35: {  	[bflag:$0x3] =	sbarrier.arrive $0xFFFF  }
0x36: {  	_ =	shalt  }

// kernel: kernel.21.cloned.1.call-start
scs
__scs_entry_jumppad:
0x0: {  	(pc) =	sbr.rel $0x88, $3  }
0x1: {  	(tag) =	ssettag $0x0;
	lr =	simm.s32 $0x1  }
0x2: {  	[smem:$0x3FA0] =	sst lr;
	_ =	strace $0xD0000000  }
0x3: {  	_ = 	snop  }
0x4: {  	_ = 	snop  }
0x5: {  	_ = 	snop  }
0x6: {  	_ = 	snop  }
0x7: {  	_ = 	snop  }
__scs_overlays_trampoline_lowered:
0x8: {  	[smem:$0x3FAF] =	sst s0  }
0x9: {  	[smem:$0x3FB0] =	sst s1  }
0xa: {  	[smem:$0x3FB1] =	sst s2  }
0xb: {  	[smem:$0x3FB2] =	sst s3  }
0xc: {  	[smem:$0x3FB3] =	sst s4  }
0xd: {  	[smem:$0x3FB4] =	sst s5  }
0xe: {  	[smem:$0x3FB5] =	sst s6  }
0xf: {  	[smem:$0x3FB6] =	sst s7  }
0x10: {  	[smem:$0x3FB7] =	sst s8  }
0x11: {  	[smem:$0x3FB8] =	sst s9;
	s0 =	simm.s32 @!p0 $0x0  }
0x12: {  	s1 =	sld [smem:$0x3F9E];
	s0 =	simm.s32 @p0 $0x1  }
0x13: {  	[smem:$0x3FB9] =	sst s0;
	s0 =	simm.s32 @!p1 $0x0  }
0x14: {  	s2 =	sld [smem:$0x3F9D];
	s0 =	simm.s32 @p1 $0x1  }
0x15: {  	[smem:$0x3FBA] =	sst s0;
	s0 =	simm.s32 @!p2 $0x0  }
0x16: {  	s3 =	sld [smem:$0x3FDB];
	s0 =	simm.s32 @p2 $0x1  }
0x17: {  	s4 =	simm.s32 $0x1BF5;
	[smem:$0x3FBC] =	sst s0  }
0x18: {  	s0 =	sld [smem:$0x3F9F];
	_ =	swait.ge [sflag:s4], $0x0  }
0x19: {  	s7 =	sld [smem:$0x3FA0]  }
0x1a: {  	s8 =	sadd.s32 $0xFFFFE003, lr  }
0x1b: {  	s9 =	sadd.s32 $0xFFFFFEF7, lr;
	s5 =	simm.s32 $0xFFFFFFFF;
	p2 =	slt.u32 s8, $0xFFFFF086  }
0x1c: {  	p1 =	slt.u32 s9, $0xF7A;
	s5 =	simm.s32 @!p2 $0x0  }
0x1d: {  	s5 =	simm.s32 @p1 $0x1;
	p0 =	seq.s32 s7, s2  }
0x1e: {  	s7 =	smul.u32 @!p0 $0xF7A, s2;
	p2 =	seq.s32 @!p0 s5, $0x0  }
0x1f: {  	s9 =	smul.u32 $0xF7A, s1;
	s8 =	simm.s32 @!p0 $0x1BF5;
	p2 =	por !p2, p0  }
0x20: {  	[sflag:s8] =	ssyncset.s32 @!p0 $0xFFFFF086;
	s6 =	sadd.s32 @!p0 s3, s7;
	s7 =	simm.s32 @!p0 $0x108  }
0x21: {  	s3 =	sadd.s32 s3, s9;
	s6 =	sadd.s32 @!p0 $0x88, s6;
	s7 =	simm.s32 @p2 $0x1082  }
0x22: {  	[simem:s7], [sflag:s8] =	dma.local @!p0 [hbm:s6], $0xF7A  }
0x23: {  	s9 =	sor.u32 $0xD0000000, s2;
	s6 =	simm.s32 $0x108;
	_ =	swait.ge @!p0 [sflag:s8], $0x0  }
0x24: {  	s3 =	sadd.s32 $0x88, s3;
	s6 =	simm.s32 @!p1 $0x1082;
	[sflag:s4] =	ssyncset.s32 $0xFFFFF086  }
0x25: {  	[simem:s6], [sflag:s4] =	dma.local [hbm:s3], $0xF7A  }
0x26: {  	[smem:$0x3FA0] =	sst s1;
	(tag) =	ssettag s2;
	_ =	strace s9  }
0x27: {  	s1 =	sld [smem:$0x3FB0]  }
0x28: {  	s2 =	sld [smem:$0x3FB1]  }
0x29: {  	s4 =	sld [smem:$0x3FB3]  }
0x2a: {  	p0 =	seq.s32 s5, $0x0;
	s5 =	sld [smem:$0x3FB4]  }
0x2b: {  	s6 =	sld [smem:$0x3FB5]  }
0x2c: {  	s7 =	sld [smem:$0x3FB6]  }
0x2d: {  	s3 =	simm.s32 $0x108;
	s8 =	sld [smem:$0x3FB7]  }
0x2e: {  	s3 =	simm.s32 @!p0 $0x1082;
	s9 =	sld [smem:$0x3FB8]  }
0x2f: {  	lr =	sadd.s32 s0, s3;
	s0 =	sld [smem:$0x3FAF]  }
0x30: {  	s3 =	sld [smem:$0x3FB2]  }
0x31: {  	[smem:$0x3FBB] =	sst s10  }
0x32: {  	s10 =	sld [smem:$0x3FB9];
	_ =	sdelay $0x3  }
0x33: {  	p0 =	seq.s32 s10, $0x1;
	s10 =	sld [smem:$0x3FBB];
	_ =	sdelay $0x3  }
0x34: {  	[smem:$0x3FBB] =	sst s10  }
0x35: {  	s10 =	sld [smem:$0x3FBA];
	_ =	sdelay $0x3  }
0x36: {  	p1 =	seq.s32 s10, $0x1;
	s10 =	sld [smem:$0x3FBB];
	_ =	sdelay $0x3  }
0x37: {  	[smem:$0x3FBB] =	sst s10  }
0x38: {  	s10 =	sld [smem:$0x3FBC]  }
0x39: {  	_ = 	snop;
	(pc) =	sbr.ind lr, $3  }
0x3a: {  	_ = 	snop  }
0x3b: {  	_ = 	snop  }
0x3c: {  	p2 =	seq.s32 s10, $0x1;
	s10 =	sld [smem:$0x3FBB]  }
0x3d: {  	_ =	shalt  }
0x3e: {  	_ =	shalt  }
0x3f: {  	_ =	shalt  }
0x40: {  	_ =	shalt  }
0x41: {  	_ =	shalt  }
0x42: {  	_ =	shalt  }
0x43: {  	_ =	shalt  }
0x44: {  	_ =	shalt  }
0x45: {  	_ =	shalt  }
0x46: {  	_ =	shalt  }
0x47: {  	_ =	shalt  }
0x48: {  	_ =	shalt  }
0x49: {  	_ =	shalt  }
0x4a: {  	_ =	shalt  }
0x4b: {  	_ =	shalt  }
0x4c: {  	_ =	shalt  }
0x4d: {  	_ =	shalt  }
0x4e: {  	_ =	shalt  }
0x4f: {  	_ =	shalt  }
0x50: {  	_ =	shalt  }
0x51: {  	_ =	shalt  }
0x52: {  	_ =	shalt  }
0x53: {  	_ =	shalt  }
0x54: {  	_ =	shalt  }
0x55: {  	_ =	shalt  }
0x56: {  	_ =	shalt  }
0x57: {  	_ =	shalt  }
0x58: {  	_ =	shalt  }
0x59: {  	_ =	shalt  }
0x5a: {  	_ =	shalt  }
0x5b: {  	_ =	shalt  }
0x5c: {  	_ =	shalt  }
0x5d: {  	_ =	shalt  }
0x5e: {  	_ =	shalt  }
0x5f: {  	_ =	shalt  }
0x60: {  	_ =	shalt  }
0x61: {  	_ =	shalt  }
0x62: {  	_ =	shalt  }
0x63: {  	_ =	shalt  }
0x64: {  	_ =	shalt  }
0x65: {  	_ =	shalt  }
0x66: {  	_ =	shalt  }
0x67: {  	_ =	shalt  }
0x68: {  	_ =	shalt  }
0x69: {  	_ =	shalt  }
0x6a: {  	_ =	shalt  }
0x6b: {  	_ =	shalt  }
0x6c: {  	_ =	shalt  }
0x6d: {  	_ =	shalt  }
0x6e: {  	_ =	shalt  }
0x6f: {  	_ =	shalt  }
0x70: {  	_ =	shalt  }
0x71: {  	_ =	shalt  }
0x72: {  	_ =	shalt  }
0x73: {  	_ =	shalt  }
0x74: {  	_ =	shalt  }
0x75: {  	_ =	shalt  }
0x76: {  	_ =	shalt  }
0x77: {  	_ =	shalt  }
0x78: {  	_ =	shalt  }
0x79: {  	_ =	shalt  }
0x7a: {  	_ =	shalt  }
0x7b: {  	_ =	shalt  }
0x7c: {  	_ =	shalt  }
0x7d: {  	_ =	shalt  }
0x7e: {  	_ =	shalt  }
0x7f: {  	_ =	shalt  }
0x80: {  	_ =	shalt  }
0x81: {  	_ =	shalt  }
0x82: {  	_ =	shalt  }
0x83: {  	_ =	shalt  }
0x84: {  	_ =	shalt  }
0x85: {  	_ =	shalt  }
0x86: {  	_ =	shalt  }
0x87: {  	_ =	shalt  }
.Lfunc_end0:
.L_simem_size_0:
called_computation.4_lowered:
.L_overlay_start_0:
0x88: {  	s2 =	sld [smem:$0x3FD9]  }
0x89: {  	s3 =	sld [smem:$0x3FFE];
	_ =	sdelay $0x1  }
0x8a: {  	s1 =	srdreg.scid  }
0x8b: {  	s0 =	sand.u32 $0x1, s1  }
0x8c: {  	s15 =	sshll.u32 s0, $0xA;
	s2 =	sadd.s32 s3, s2  }
0x8d: {  	s2 =	sadd.s32 s2, s15  }
0x8e: {  	[smem:$0x3FC7] =	sst s2  }
0x8f: {  	_ = 	snop  }
0x90: {  	s2 =	sld [smem:$0x3FD0];
	_ =	sdelay $0x2  }
0x91: {  	s16 =	simm.s32 $0xA;
	s4 =	simm.s32 $0x10  }
0x92: {  	[smem:s4], [sflag:s16] =	dma.local [hbm:s2], $0x1  }
0x93: {  	_ =	swait.eq [sflag:s16], $0x1  }
0x94: {  	[sflag:s16] =	ssyncset.done $0x0  }
0x95: {  	s17 =	sld [smem:$0x10];
	[sflag:s16] =	ssyncadd.s32 $0xFFFFFFFF  }
0x96: {  	s18 =	sld [smem:$0x11];
	(tm) =	ssettm $0x1  }
0x97: {  	s19 =	sld [smem:$0x3FFB];
	_ =	sdelay $0x3  }
0x98: {  	_ =	strace s19  }
0x99: {  	s4 =	sld [smem:$0x3FFC];
	_ =	sdelay $0x3  }
0x9a: {  	_ =	strace s4  }
0x9b: {  	s4 =	sld [smem:$0x3FFD];
	_ =	sdelay $0x3  }
0x9c: {  	_ =	strace s4  }
0x9d: {  	_ =	strace $0x8FFFFFFF  }
0x9e: {  	s20 =	sld [smem:$0x3FDB];
	_ =	sdelay $0x1  }
0x9f: {  	s5 =	simm.s32 $_scs_section_size  }
0xa0: {  	s6 =	simm.s32 $_size__tile_overlayer_lowered;
	s7 =	simm.s32 $_tile_overlayer_lowered  }
0xa1: {  	s23 =	simm.s32 $0x1BFF;
	s22 =	sshll.u32 s7, $0x1;
	s4 =	sadd.s32 s5, s20  }
0xa2: {  	s8 =	simm.s32 $0x0;
	s21 =	sshll.u32 s6, $0x1;
	s6 =	sadd.s32 s22, s4  }
0xa3: {  	[timem:s8], [sflag:s23] =	dma.local [hbm:s6], s21  }
0xa4: {  	_ =	swait.ge [sflag:s23], s21  }
0xa5: {  	s5 =	ssub.s32 $0x0, s21;
	[sflag:s23] =	ssyncset.done $0x0  }
0xa6: {  	[sflag:s23] =	ssyncadd.s32 s5;
	_ =	sdelay $0x1  }
0xa7: {  	s24 =	simm.s32 $0x1B8B  }
0xa8: {  	_ =	swait.ge [sflag:s24], $0x1  }
0xa9: {  	[sflag:s24] =	ssyncset.done $0x0  }
0xaa: {  	s25 =	simm.s32 $0x1B8E;
	[sflag:s24] =	ssyncadd.s32 $0xFFFFFFFF  }
0xab: {  	s26 =	simm.s32 $execute0_lowered;
	[smem:$0x3FD2] =	sst s25  }
0xac: {  	s5 =	sshll.u32 s26, $0x1;
	_ =	strace $0x80000052;
	[dreg:$0x1] =	wrdreg $0xFFFFFFFF  }
0xad: {  	s28 =	simm.s32 $_size_execute0_lowered;
	s4 =	sadd.s32 s4, s5;
	[dreg:$0x0] =	wrdreg $0x0  }
0xae: {  	s5 =	sshll.u32 s28, $0x1;
	[dreg:$0x2] =	wrdreg s4  }
0xaf: {  	[dreg:$0x3] =	wrdreg s5  }
0xb0: {  	[dreg:$0x4] =	wrdreg $0xC0  }
0xb1: {  	_ =	task [dreg:s8], $0x5FFFF  }
0xb2: {  	[dreg:$0x1] =	wrdreg $0xFFFFFFFF  }
0xb3: {  	[dreg:$0x0] =	wrdreg $0x60  }
0xb4: {  	[dreg:$0x2] =	wrdreg s17  }
0xb5: {  	[dreg:$0x3] =	wrdreg s18  }
0xb6: {  	[dreg:$0x4] =	wrdreg $0x9  }
0xb7: {  	_ =	task.clear_ibuf [dreg:s8], $0x5FFFF;
	_ =	strace $0x90000052  }
0xb8: {  	s29 =	simm.s32 $0x9;
	_ =	strace $0x80000054  }
0xb9: {  	_ =	swait.ge [sflag:s29], $0x1  }
0xba: {  	[sflag:s29] =	ssyncadd.s32 $0xFFFFFFFF  }
0xbb: {  	_ =	strace $0x90000054  }
0xbc: {  	_ =	sfence  }
0xbd: {  	s30 =	sld [smem:$0x0];
	_ =	sdelay $0x2  }
0xbe: {  	s31 =	sshll.u32 s1, $0xD;
	s1 =	sshrl.u32 s1, $0x2  }
0xbf: {  	s3 =	sand.u32 $0x4000, s31;
	s1 =	sadd.s32 s1, s30  }
0xc0: {  	s0 =	sor.u32 s3, s0;
	s1 =	sshll.u32 s1, $0x11  }
0xc1: {  	s0 =	sor.u32 s1, s0  }
0xc2: {  	s0 =	sadd.s32 $0x8F2B, s0  }
0xc3: {  	[sflag:s0] =	ssyncadd.remote.s32 $0x1  }
0xc4: {  	_ =	sfence.sel $0xFFFF  }
0xc5: {  	[dreg:$0x0] =	wrdreg $0xFFFFFFFF;
	(pc) =	sbr.abs _section_cstart, $3  }
0xc6: {  	[dreg:$0x1] =	wrdreg $0xFFFFFFFF  }
0xc7: {  	_ =	task.clear_ibuf [dreg:s8], $0x2FFFF;
	_ =	strace $0x9FFFFFFF  }
0xc8: {  	(tm) =	ssettm $0x7FFFFFFF  }
0xc9: {  	_ =	shalt  }
tec
execute0_lowered:
.L_overlay_start_1:
0x0: {  	(tag) =	ssettag $0x1  }
0x1: {  	s0 =	srdreg.scid  }
0x2: {  	s1 =	stileid.u32;
	s5 =	sand.u32 $0x1, s0  }
0x3: {  	s6 =	sor.u32 s1, s5  }
0x4: {  	p0 =	sne.s32 s6, $0x0  }
.Ltmp0:
0x5: {  	_ = 	snop;
	(pc) =	sbr.rel @p0 .LBB2_15-.Ltmp0, $4  }
0x6: {  	s2 =	rddreg [dreg:$0x0]  }
0x7: {  	s3 =	rddreg [dreg:$0x1];
	s4 =	simm.s32 $0x0  }
0x8: {  	[smem:$0x7FF] =	sst s4  }
0x9: {  	s0 =	rddreg [dreg:$0x2];
	_ =	strace $0x80000053  }
0xa: {  	s5 =	ssub.s32 $0x2, s5  }
0xb: {  	s7 =	simm.s32 $0x400;
	s8 =	simm.s32 $0x1;
	s6 =	sshrl.u32 s5, $0x1  }
0xc: {  	v0 =	vimm.s32 $0x0;
	s9 =	simm.s32 $0x1000;
	s5 =	ssub.s32 s5, s6;
	s6 =	simm.s32 $0x80  }
.LBB2_2:
0xd: {  	s11 =	simm.s32 $0x0;
	s10 =	simm.s32 $0x40;
	s12 =	simm.s32 $0x0  }
.LBB2_3:
0xe: {  	p0 =	sne.s32 s10, $0x3FC0;
	[tilespmem:s12+$0x1000] =	vst v0;
	s12 =	smov.u32 s10;
	s10 =	sadd.s32 $0x40, s10  }
.Ltmp1:
0xf: {  	(pc) =	sbr.rel @p0 .LBB2_3-.Ltmp1, $2  }
0x10: {  	_ =	sdelay $0x2  }
0x11: {  	s12 =	sshra.s32 s12, $0x2  }
0x12: {  	[tilespmem:s12+$0x1000] =	vst v0  }
.LBB2_5:
0x13: {  	s10 =	sshll.u32 s11, $0x4  }
0x14: {  	s12 =	sshll.u32 s11, $0x9;
	s10 =	sand.u32 $0x70, s10  }
0x15: {  	s12 =	sand.u32 $0x3000, s12;
	s10 =	sadd.s32 s2, s10  }
0x16: {  	s31 =	simm.s32 $0x0;
	s10 =	sadd.s32 s12, s10  }
0x17: {  	[tilespmem:s31], [sflag:$0x1] =	stream.strided.gather [hbm4b:s10+s6], $0x1000, s7, s6, $0x38;
	[tilespmem:$0x2000] =	vst v63  }
0x18: {  	_ =	swait.ge [sflag:s8], $0x1000  }
0x19: {  	[sflag:s8] =	ssyncset.done $0x0  }
0x1a: {  	s10 =	simm.s32 $0x0;
	[sflag:s8] =	ssyncadd.s32 $0xFFFFF000  }
0x1b: {  	s12 =	simm.s32 $0x40;
	v1 =	vld [tilespmem:s10+$0x0]  }
.LBB2_6:
0x1c: {  	p0 =	sne.s32 s12, $0x3FC0;
	v2 =	vld [tilespmem:s10+$0x1000];
	_ =	sdelay $0x1  }
.Ltmp2:
0x1d: {  	(pc) =	sbr.rel @p0 .LBB2_6-.Ltmp2, $3  }
0x1e: {  	_ =	sdelay $0x1  }
0x1f: {  	s13 =	sshra.s32 s12, $0x2;
	v2 =	vadd.s32 v2, v1  }
0x20: {  	s12 =	sadd.s32 $0x40, s12;
	v1 =	vld [tilespmem:s13+$0x0];
	[tilespmem:s10+$0x1000] =	vst v2;
	s10 =	smov.u32 s13  }
0x21: {  	v2 =	vld [tilespmem:s10+$0x1000];
	s11 =	sadd.s32 $0x1, s11  }
0x22: {  	p0 =	sne.s32 s11, $0x20  }
.Ltmp3:
0x23: {  	_ = 	snop;
	(pc) =	sbr.rel @p0 .LBB2_5-.Ltmp3, $3  }
0x24: {  	_ =	sdelay $0x1  }
0x25: {  	v1 =	vadd.s32 v2, v1  }
0x26: {  	[tilespmem:s10+$0x1000] =	vst v1;
	s10 =	simm.s32 $0x0  }
0x27: {  	s12 =	sshra.s32 s10, $0x2  }
0x28: {  	v1 =	vld [tilespmem:s12+$0x1000];
	_ =	sdelay $0x4  }
0x29: {  	(xrf0) =	vadd.scan.msk.s32 $0xffff, v1;
	_ =	sdelay $0x5  }
0x2a: {  	v2, _, _ =	vpop (xrf0)  }
0x2b: {  	(v2sf) =	vpush v2, $0xF  }
0x2c: {  	v1 =	vsub.s32 s10, v1  }
0x2d: {  	s13 =	sadd.s32 $0x40, s10;
	v1 =	vadd.s32 v2, v1  }
0x2e: {  	s11 =	sshra.s32 s13, $0x2;
	s13 =	sadd.s32 $0x40, s13;
	[tilespmem:s12+$0x1000] =	vst v1;
	s12 =	simm.s32 $0x0  }
.LBB2_9:
0x2f: {  	p0 =	sne.s32 s13, $0x3FC0;
	v1 =	vld [tilespmem:s11+$0x1000];
	_ =	sdelay $0x4  }
0x30: {  	(xrf0) =	vadd.scan.msk.s32 $0xffff, v1;
	_ =	sdelay $0x5  }
.Ltmp4:
0x31: {  	v2, _, _ =	vpop (xrf0);
	s14 =	spop (v2sf);
	(pc) =	sbr.rel @p0 .LBB2_9-.Ltmp4, $4  }
0x32: {  	(v2sf) =	vpush v2, $0xF;
	s12 =	sadd.s32 s12, s14  }
0x33: {  	v1 =	vsub.s32 s12, v1  }
0x34: {  	v1 =	vadd.s32 v2, v1  }
0x35: {  	[tilespmem:s11+$0x1000] =	vst v1;
	s11 =	sshra.s32 s13, $0x2;
	s13 =	sadd.s32 $0x40, s13  }
0x36: {  	v1 =	vld [tilespmem:s11+$0x1000];
	_ =	sdelay $0x4  }
0x37: {  	(xrf0) =	vadd.scan.msk.s32 $0xffff, v1;
	_ =	sdelay $0x5  }
0x38: {  	v2, _, _ =	vpop (xrf0)  }
0x39: {  	(v2sf) =	vpush v2, $0xF;
	_ =	sdelay $0xa  }
0x3a: {  	s13 =	spop (v2sf)  }
0x3b: {  	s12 =	sadd.s32 s12, s13  }
0x3c: {  	v1 =	vsub.s32 s12, v1  }
0x3d: {  	v1 =	vadd.s32 v2, v1  }
0x3e: {  	[tilespmem:s11+$0x1000] =	vst v1;
	s31 =	spop (v2sf)  }
.LBB2_11:
0x3f: {  	s11 =	sshll.u32 s10, $0x9;
	s12 =	sshll.u32 s10, $0x4  }
0x40: {  	s11 =	sand.u32 $0x3000, s11;
	s12 =	sand.u32 $0x70, s12  }
0x41: {  	s11 =	sor.u32 s12, s11  }
0x42: {  	s12 =	sadd.s32 s3, s11  }
0x43: {  	[hbm4b:s12+s6] =	stream.strided.scatter [tilespmem:s9], [sflag:$0x1], $0x1000, s7, s6, $0x38;
	[tilespmem:$0x2000] =	vst v63  }
0x44: {  	_ =	swait.ge [sflag:s8], $0x1000  }
0x45: {  	[sflag:s8] =	ssyncset.done $0x0  }
0x46: {  	s31 =	simm.s32 $0x0;
	s11 =	sadd.s32 s2, s11;
	[sflag:s8] =	ssyncadd.s32 $0xFFFFF000  }
0x47: {  	[tilespmem:s31], [sflag:$0x1] =	stream.strided.gather [hbm4b:s11+s6], $0x1000, s7, s6, $0x38;
	[tilespmem:$0x2000] =	vst v63  }
0x48: {  	_ =	swait.ge [sflag:s8], $0x1000  }
0x49: {  	[sflag:s8] =	ssyncset.done $0x0  }
0x4a: {  	s11 =	simm.s32 $0x0;
	[sflag:s8] =	ssyncadd.s32 $0xFFFFF000  }
0x4b: {  	s12 =	simm.s32 $0x40;
	v1 =	vld [tilespmem:s11+$0x0]  }
.LBB2_12:
0x4c: {  	p0 =	sne.s32 s12, $0x3FC0;
	v2 =	vld [tilespmem:s11+$0x1000];
	_ =	sdelay $0x1  }
.Ltmp5:
0x4d: {  	(pc) =	sbr.rel @p0 .LBB2_12-.Ltmp5, $3  }
0x4e: {  	_ =	sdelay $0x1  }
0x4f: {  	s13 =	sshra.s32 s12, $0x2;
	v2 =	vadd.s32 v2, v1  }
0x50: {  	s12 =	sadd.s32 $0x40, s12;
	v1 =	vld [tilespmem:s13+$0x0];
	[tilespmem:s11+$0x1000] =	vst v2;
	s11 =	smov.u32 s13  }
0x51: {  	v2 =	vld [tilespmem:s11+$0x1000];
	s10 =	sadd.s32 $0x1, s10  }
0x52: {  	p0 =	sne.s32 s10, $0x20  }
.Ltmp6:
0x53: {  	_ = 	snop;
	(pc) =	sbr.rel @p0 .LBB2_11-.Ltmp6, $3  }
0x54: {  	_ =	sdelay $0x1  }
0x55: {  	v1 =	vadd.s32 v2, v1  }
0x56: {  	[tilespmem:s11+$0x1000] =	vst v1  }
0x57: {  	s4 =	sadd.s32 $0x1, s4  }
0x58: {  	p0 =	sne.s32 s4, s5  }
.Ltmp7:
0x59: {  	_ = 	snop;
	(pc) =	sbr.rel @p0 .LBB2_2-.Ltmp7, $1  }
0x5a: {  	_ =	sdelay $0x3  }
.LBB2_15:
0x5b: {  	_ =	sfence.sel $0x180000  }
0x5c: {  	[bflag:$0x0] =	sbarrier.arrive $0xFFFF  }
0x5d: {  	p0 =	sne.s32 s1, $0x0;
	_ =	strace $0x90000053  }
0x5e: {  	s0 =	sadd.s32 @!p0 $0x100000, s0;
	[bflag:$0x2] =	sbarrier.arrive $0xFFFF  }
0x5f: {  	[sflag:s0] =	ssyncadd.tile.s32 @!p0 $0x1;
	_ =	shalt  }
.Lfunc_end2:
_tile_overlayer_lowered:
.L_overlay_start_2:
0x60: {  	(tag) =	ssettag $0x2  }
0x61: {  	s0 =	rddreg [dreg:$0x0];
	s2 =	stileid.u32  }
0x62: {  	s1 =	rddreg [dreg:$0x1];
	p0 =	sne.s32 s2, $0x0  }
0x63: {  	s3 =	rddreg [dreg:$0x2];
	[bflag:$0x3] =	sbarrier.arrive $0xFFFF;
	s2 =	simm.s32 @!p0 $0x1C01  }
0x64: {  	[timem:s3], [sflag:s2] =	dma.local @!p0 [hbm:s0], s1  }
0x65: {  	s0 =	simm.s32 @!p0 $0x1  }
0x66: {  	_ =	swait.ge @!p0 [sflag:s0], s1  }
0x67: {  	s1 =	ssub.s32 @!p0 $0x0, s1;
	[sflag:s0] =	ssyncset.done @!p0 $0x0  }
0x68: {  	[sflag:s0] =	ssyncadd.s32 @!p0 s1  }
0x69: {  	[bflag:$0x3] =	sbarrier.arrive $0xFFFF  }
0x6a: {  	_ =	shalt  }

// kernel: kernel.24.cloned.1.call-start
scs
__scs_entry_jumppad:
0x0: {  	(pc) =	sbr.rel $0x88, $3  }
0x1: {  	(tag) =	ssettag $0x0;
	lr =	simm.s32 $0x1  }
0x2: {  	[smem:$0x3FA0] =	sst lr;
	_ =	strace $0xD0000000  }
0x3: {  	_ = 	snop  }
0x4: {  	_ = 	snop  }
0x5: {  	_ = 	snop  }
0x6: {  	_ = 	snop  }
0x7: {  	_ = 	snop  }
__scs_overlays_trampoline_lowered:
0x8: {  	[smem:$0x3FAF] =	sst s0  }
0x9: {  	[smem:$0x3FB0] =	sst s1  }
0xa: {  	[smem:$0x3FB1] =	sst s2  }
0xb: {  	[smem:$0x3FB2] =	sst s3  }
0xc: {  	[smem:$0x3FB3] =	sst s4  }
0xd: {  	[smem:$0x3FB4] =	sst s5  }
0xe: {  	[smem:$0x3FB5] =	sst s6  }
0xf: {  	[smem:$0x3FB6] =	sst s7  }
0x10: {  	[smem:$0x3FB7] =	sst s8  }
0x11: {  	[smem:$0x3FB8] =	sst s9;
	s0 =	simm.s32 @!p0 $0x0  }
0x12: {  	s1 =	sld [smem:$0x3F9E];
	s0 =	simm.s32 @p0 $0x1  }
0x13: {  	[smem:$0x3FB9] =	sst s0;
	s0 =	simm.s32 @!p1 $0x0  }
0x14: {  	s2 =	sld [smem:$0x3F9D];
	s0 =	simm.s32 @p1 $0x1  }
0x15: {  	[smem:$0x3FBA] =	sst s0;
	s0 =	simm.s32 @!p2 $0x0  }
0x16: {  	s3 =	sld [smem:$0x3FDB];
	s0 =	simm.s32 @p2 $0x1  }
0x17: {  	s4 =	simm.s32 $0x1BF5;
	[smem:$0x3FBC] =	sst s0  }
0x18: {  	s0 =	sld [smem:$0x3F9F];
	_ =	swait.ge [sflag:s4], $0x0  }
0x19: {  	s7 =	sld [smem:$0x3FA0]  }
0x1a: {  	s8 =	sadd.s32 $0xFFFFE003, lr  }
0x1b: {  	s9 =	sadd.s32 $0xFFFFFEF7, lr;
	s5 =	simm.s32 $0xFFFFFFFF;
	p2 =	slt.u32 s8, $0xFFFFF086  }
0x1c: {  	p1 =	slt.u32 s9, $0xF7A;
	s5 =	simm.s32 @!p2 $0x0  }
0x1d: {  	s5 =	simm.s32 @p1 $0x1;
	p0 =	seq.s32 s7, s2  }
0x1e: {  	s7 =	smul.u32 @!p0 $0xF7A, s2;
	p2 =	seq.s32 @!p0 s5, $0x0  }
0x1f: {  	s9 =	smul.u32 $0xF7A, s1;
	s8 =	simm.s32 @!p0 $0x1BF5;
	p2 =	por !p2, p0  }
0x20: {  	[sflag:s8] =	ssyncset.s32 @!p0 $0xFFFFF086;
	s6 =	sadd.s32 @!p0 s3, s7;
	s7 =	simm.s32 @!p0 $0x108  }
0x21: {  	s3 =	sadd.s32 s3, s9;
	s6 =	sadd.s32 @!p0 $0x88, s6;
	s7 =	simm.s32 @p2 $0x1082  }
0x22: {  	[simem:s7], [sflag:s8] =	dma.local @!p0 [hbm:s6], $0xF7A  }
0x23: {  	s9 =	sor.u32 $0xD0000000, s2;
	s6 =	simm.s32 $0x108;
	_ =	swait.ge @!p0 [sflag:s8], $0x0  }
0x24: {  	s3 =	sadd.s32 $0x88, s3;
	s6 =	simm.s32 @!p1 $0x1082;
	[sflag:s4] =	ssyncset.s32 $0xFFFFF086  }
0x25: {  	[simem:s6], [sflag:s4] =	dma.local [hbm:s3], $0xF7A  }
0x26: {  	[smem:$0x3FA0] =	sst s1;
	(tag) =	ssettag s2;
	_ =	strace s9  }
0x27: {  	s1 =	sld [smem:$0x3FB0]  }
0x28: {  	s2 =	sld [smem:$0x3FB1]  }
0x29: {  	s4 =	sld [smem:$0x3FB3]  }
0x2a: {  	p0 =	seq.s32 s5, $0x0;
	s5 =	sld [smem:$0x3FB4]  }
0x2b: {  	s6 =	sld [smem:$0x3FB5]  }
0x2c: {  	s7 =	sld [smem:$0x3FB6]  }
0x2d: {  	s3 =	simm.s32 $0x108;
	s8 =	sld [smem:$0x3FB7]  }
0x2e: {  	s3 =	simm.s32 @!p0 $0x1082;
	s9 =	sld [smem:$0x3FB8]  }
0x2f: {  	lr =	sadd.s32 s0, s3;
	s0 =	sld [smem:$0x3FAF]  }
0x30: {  	s3 =	sld [smem:$0x3FB2]  }
0x31: {  	[smem:$0x3FBB] =	sst s10  }
0x32: {  	s10 =	sld [smem:$0x3FB9];
	_ =	sdelay $0x3  }
0x33: {  	p0 =	seq.s32 s10, $0x1;
	s10 =	sld [smem:$0x3FBB];
	_ =	sdelay $0x3  }
0x34: {  	[smem:$0x3FBB] =	sst s10  }
0x35: {  	s10 =	sld [smem:$0x3FBA];
	_ =	sdelay $0x3  }
0x36: {  	p1 =	seq.s32 s10, $0x1;
	s10 =	sld [smem:$0x3FBB];
	_ =	sdelay $0x3  }
0x37: {  	[smem:$0x3FBB] =	sst s10  }
0x38: {  	s10 =	sld [smem:$0x3FBC]  }
0x39: {  	_ = 	snop;
	(pc) =	sbr.ind lr, $3  }
0x3a: {  	_ = 	snop  }
0x3b: {  	_ = 	snop  }
0x3c: {  	p2 =	seq.s32 s10, $0x1;
	s10 =	sld [smem:$0x3FBB]  }
0x3d: {  	_ =	shalt  }
0x3e: {  	_ =	shalt  }
0x3f: {  	_ =	shalt  }
0x40: {  	_ =	shalt  }
0x41: {  	_ =	shalt  }
0x42: {  	_ =	shalt  }
0x43: {  	_ =	shalt  }
0x44: {  	_ =	shalt  }
0x45: {  	_ =	shalt  }
0x46: {  	_ =	shalt  }
0x47: {  	_ =	shalt  }
0x48: {  	_ =	shalt  }
0x49: {  	_ =	shalt  }
0x4a: {  	_ =	shalt  }
0x4b: {  	_ =	shalt  }
0x4c: {  	_ =	shalt  }
0x4d: {  	_ =	shalt  }
0x4e: {  	_ =	shalt  }
0x4f: {  	_ =	shalt  }
0x50: {  	_ =	shalt  }
0x51: {  	_ =	shalt  }
0x52: {  	_ =	shalt  }
0x53: {  	_ =	shalt  }
0x54: {  	_ =	shalt  }
0x55: {  	_ =	shalt  }
0x56: {  	_ =	shalt  }
0x57: {  	_ =	shalt  }
0x58: {  	_ =	shalt  }
0x59: {  	_ =	shalt  }
0x5a: {  	_ =	shalt  }
0x5b: {  	_ =	shalt  }
0x5c: {  	_ =	shalt  }
0x5d: {  	_ =	shalt  }
0x5e: {  	_ =	shalt  }
0x5f: {  	_ =	shalt  }
0x60: {  	_ =	shalt  }
0x61: {  	_ =	shalt  }
0x62: {  	_ =	shalt  }
0x63: {  	_ =	shalt  }
0x64: {  	_ =	shalt  }
0x65: {  	_ =	shalt  }
0x66: {  	_ =	shalt  }
0x67: {  	_ =	shalt  }
0x68: {  	_ =	shalt  }
0x69: {  	_ =	shalt  }
0x6a: {  	_ =	shalt  }
0x6b: {  	_ =	shalt  }
0x6c: {  	_ =	shalt  }
0x6d: {  	_ =	shalt  }
0x6e: {  	_ =	shalt  }
0x6f: {  	_ =	shalt  }
0x70: {  	_ =	shalt  }
0x71: {  	_ =	shalt  }
0x72: {  	_ =	shalt  }
0x73: {  	_ =	shalt  }
0x74: {  	_ =	shalt  }
0x75: {  	_ =	shalt  }
0x76: {  	_ =	shalt  }
0x77: {  	_ =	shalt  }
0x78: {  	_ =	shalt  }
0x79: {  	_ =	shalt  }
0x7a: {  	_ =	shalt  }
0x7b: {  	_ =	shalt  }
0x7c: {  	_ =	shalt  }
0x7d: {  	_ =	shalt  }
0x7e: {  	_ =	shalt  }
0x7f: {  	_ =	shalt  }
0x80: {  	_ =	shalt  }
0x81: {  	_ =	shalt  }
0x82: {  	_ =	shalt  }
0x83: {  	_ =	shalt  }
0x84: {  	_ =	shalt  }
0x85: {  	_ =	shalt  }
0x86: {  	_ =	shalt  }
0x87: {  	_ =	shalt  }
.Lfunc_end0:
.L_simem_size_0:
called_computation.5_lowered:
.L_overlay_start_0:
0x88: {  	s2 =	sld [smem:$0x3FD9]  }
0x89: {  	s3 =	sld [smem:$0x3FFE];
	_ =	sdelay $0x1  }
0x8a: {  	s1 =	srdreg.scid  }
0x8b: {  	s0 =	sand.u32 $0x1, s1  }
0x8c: {  	s14 =	sshll.u32 s0, $0xA;
	s2 =	sadd.s32 s3, s2  }
0x8d: {  	s2 =	sadd.s32 s2, s14  }
0x8e: {  	[smem:$0x3FC7] =	sst s2  }
0x8f: {  	_ = 	snop  }
0x90: {  	s2 =	sld [smem:$0x3FD0];
	_ =	sdelay $0x2  }
0x91: {  	s15 =	simm.s32 $0xA;
	s4 =	simm.s32 $0x10  }
0x92: {  	[smem:s4], [sflag:s15] =	dma.local [hbm:s2], $0x1  }
0x93: {  	_ =	swait.eq [sflag:s15], $0x1  }
0x94: {  	[sflag:s15] =	ssyncset.done $0x0  }
0x95: {  	[sflag:s15] =	ssyncadd.s32 $0xFFFFFFFF  }
0x96: {  	s16 =	sld [smem:$0x11];
	(tm) =	ssettm $0x1  }
0x97: {  	s17 =	sld [smem:$0x3FFB];
	_ =	sdelay $0x3  }
0x98: {  	_ =	strace s17  }
0x99: {  	s3 =	sld [smem:$0x3FFC];
	_ =	sdelay $0x3  }
0x9a: {  	_ =	strace s3  }
0x9b: {  	s3 =	sld [smem:$0x3FFD];
	_ =	sdelay $0x3  }
0x9c: {  	_ =	strace s3  }
0x9d: {  	_ =	strace $0x8FFFFFFF  }
0x9e: {  	s18 =	sld [smem:$0x3FDB];
	_ =	sdelay $0x1  }
0x9f: {  	s19 =	simm.s32 $_scs_section_size  }
0xa0: {  	s5 =	simm.s32 $_size__tile_overlayer_lowered;
	s6 =	simm.s32 $_tile_overlayer_lowered  }
0xa1: {  	s22 =	simm.s32 $0x1BFF;
	s21 =	sshll.u32 s6, $0x1;
	s3 =	sadd.s32 s19, s18  }
0xa2: {  	s7 =	simm.s32 $0x0;
	s20 =	sshll.u32 s5, $0x1;
	s5 =	sadd.s32 s21, s3  }
0xa3: {  	[timem:s7], [sflag:s22] =	dma.local [hbm:s5], s20  }
0xa4: {  	_ =	swait.ge [sflag:s22], s20  }
0xa5: {  	s4 =	ssub.s32 $0x0, s20;
	[sflag:s22] =	ssyncset.done $0x0  }
0xa6: {  	[sflag:s22] =	ssyncadd.s32 s4;
	_ =	sdelay $0x1  }
0xa7: {  	s23 =	simm.s32 $0x1B8B  }
0xa8: {  	_ =	swait.ge [sflag:s23], $0x1  }
0xa9: {  	[sflag:s23] =	ssyncset.done $0x0  }
0xaa: {  	s25 =	simm.s32 $0x1B8E;
	s24 =	sld [smem:$0x3FFE];
	[sflag:s23] =	ssyncadd.s32 $0xFFFFFFFF  }
0xab: {  	s26 =	simm.s32 $execute0_lowered;
	[smem:$0x3FD2] =	sst s25  }
0xac: {  	s5 =	sshll.u32 s26, $0x1;
	_ =	strace $0x80000055;
	[dreg:$0x1] =	wrdreg $0xFFFFFFFF  }
0xad: {  	s28 =	simm.s32 $_size_execute0_lowered;
	s3 =	sadd.s32 s3, s5;
	[dreg:$0x0] =	wrdreg $0x0  }
0xae: {  	s5 =	sshll.u32 s28, $0x1;
	[dreg:$0x2] =	wrdreg s3  }
0xaf: {  	[dreg:$0x3] =	wrdreg s5  }
0xb0: {  	[dreg:$0x4] =	wrdreg $0xC0  }
0xb1: {  	_ =	task [dreg:s7], $0x5FFFF  }
0xb2: {  	[dreg:$0x1] =	wrdreg $0xFFFFFFFF  }
0xb3: {  	[dreg:$0x0] =	wrdreg $0x60  }
0xb4: {  	[dreg:$0x2] =	wrdreg s24  }
0xb5: {  	[dreg:$0x3] =	wrdreg s16  }
0xb6: {  	[dreg:$0x4] =	wrdreg $0x9  }
0xb7: {  	_ =	task.clear_ibuf [dreg:s7], $0x5FFFF;
	_ =	strace $0x90000055  }
0xb8: {  	s29 =	simm.s32 $0x9;
	_ =	strace $0x80000057  }
0xb9: {  	_ =	swait.ge [sflag:s29], $0x1  }
0xba: {  	[sflag:s29] =	ssyncadd.s32 $0xFFFFFFFF  }
0xbb: {  	_ =	strace $0x90000057  }
0xbc: {  	_ =	sfence  }
0xbd: {  	s30 =	sld [smem:$0x0];
	_ =	sdelay $0x2  }
0xbe: {  	s31 =	sshll.u32 s1, $0xD;
	s1 =	sshrl.u32 s1, $0x2  }
0xbf: {  	s3 =	sand.u32 $0x4000, s31;
	s1 =	sadd.s32 s1, s30  }
0xc0: {  	s0 =	sor.u32 s3, s0;
	s1 =	sshll.u32 s1, $0x11  }
0xc1: {  	s0 =	sor.u32 s1, s0  }
0xc2: {  	s0 =	sadd.s32 $0x8F2B, s0  }
0xc3: {  	[sflag:s0] =	ssyncadd.remote.s32 $0x1  }
0xc4: {  	_ =	sfence.sel $0xFFFF  }
0xc5: {  	[dreg:$0x0] =	wrdreg $0xFFFFFFFF;
	(pc) =	sbr.abs _section_cstart, $3  }
0xc6: {  	[dreg:$0x1] =	wrdreg $0xFFFFFFFF  }
0xc7: {  	_ =	task.clear_ibuf [dreg:s7], $0x2FFFF;
	_ =	strace $0x9FFFFFFF  }
0xc8: {  	(tm) =	ssettm $0x7FFFFFFF  }
0xc9: {  	_ =	shalt  }
tec
execute0_lowered:
.L_overlay_start_1:
0x0: {  	(tag) =	ssettag $0x1  }
0x1: {  	s3 =	rddreg [dreg:$0x0]  }
0x2: {  	s0 =	srdreg.scid;
	s5 =	rddreg [dreg:$0x1]  }
0x3: {  	s1 =	stileid.u32;
	s2 =	simm.s32 $0x0;
	s10 =	simm.s32 $0x7C00  }
0x4: {  	s11 =	simm.s32 $0x8C00;
	s12 =	simm.s32 $0x10800;
	s13 =	simm.s32 $0x1  }
0x5: {  	s14 =	simm.s32 $0x0;
	s4 =	sand.u32 $0x1, s0;
	s0 =	rddreg [dreg:$0x2]  }
0x6: {  	[smem:$0x7FF] =	sst s2;
	s8 =	sshll.u32 s1, $0x4;
	s6 =	sshll.u32 s4, $0x4  }
0x7: {  	_ =	strace $0x80000056;
	s4 =	ssub.s32 $0x2, s4;
	s8 =	sand.u32 $0x70, s8  }
0x8: {  	s6 =	sor.u32 s1, s6;
	s9 =	sshrl.u32 s4, $0x1;
	s5 =	sadd.s32 s5, s8  }
0x9: {  	s8 =	simm.s32 $0x80;
	s7 =	smul.u32 $0xF80, s6;
	s6 =	sshll.u32 s6, $0x9  }
0xa: {  	s31 =	ssub.s32 s4, s9;
	s9 =	simm.s32 $0x400;
	s6 =	sand.u32 $0x3000, s6  }
0xb: {  	s7 =	sadd.s32 s7, s3;
	s3 =	sadd.s32 $0x2200, s3;
	s5 =	sadd.s32 s6, s5  }
0xc: {  	s6 =	smax.u32 s31, $0x1;
	s4 =	sadd.s32 $0x21200, s7;
	s7 =	simm.s32 $0x2  }
.LBB2_1:
0xd: {  	[tilespmem:s2], [sflag:$0x2] =	stream.linear.gather [hbm4b:s4+s2], $0x7C00, $0x38;
	[tilespmem:$0x18400] =	vst v63  }
0xe: {  	_ =	swait.ge [sflag:s7], $0x7C00  }
0xf: {  	[sflag:s7] =	ssyncset.done $0x0  }
0x10: {  	[sflag:s7] =	ssyncadd.s32 $0xFFFF8400  }
0x11: {  	[tilespmem:s10], [sflag:$0x2] =	stream.strided.gather [hbm4b:s5+s8], $0x1000, s9, s8, $0x38;
	[tilespmem:$0x18400] =	vst v63  }
0x12: {  	_ =	swait.ge [sflag:s7], $0x1000  }
0x13: {  	[sflag:s7] =	ssyncset.done $0x0  }
0x14: {  	s15 =	simm.s32 $0x0;
	[sflag:s7] =	ssyncadd.s32 $0xFFFFF000  }
0x15: {  	v0 =	vld [tilespmem:s15+$0x0];
	_ =	sdelay $0x4  }
0x16: {  	v1 =	vshrl.u32 v0, $0x14  }
0x17: {  	(xrf1) =	vunique.msk.u32 $0xffff, v1;
	_ =	sdelay $0xd  }
0x18: {  	v2 =	vld.idx.msk [tilespmem:v1+s10+$0x0], $0xffff;
	_, v3, vm0 =	vpop (xrf1);
	_ =	sdelay $0x4  }
0x19: {  	v0 =	vand.u32 $0xFFFFF, v0;
	v2 =	vadd.s32 v2, v3  }
0x1a: {  	s16 =	simm.s32 $0x80;
	s17 =	simm.s32 $0x10;
	v0 =	vadd.s32 $0xFFFFFFFF, v0;
	[tilespmem:v1+s10+$0x0] =	vst.idx.msk vm0, v2;
	v1 =	vadd.s32 $0xFFFFFFFF, v2  }
.LBB2_2:
0x1b: {  	p0 =	sne.s32 s16, $0x1EFC0;
	v2 =	vld [tilespmem:s17+$0x0];
	[tilespmem:s15+$0x8C00] =	vst v1;
	s18 =	smov.u32 s16;
	s16 =	sadd.s32 $0x40, s16  }
0x1c: {  	[tilespmem:s15+$0x10800] =	vst v0;
	s15 =	smov.u32 s17;
	_ =	sdelay $0x3  }
0x1d: {  	v0 =	vshrl.u32 v2, $0x14;
	v2 =	vand.u32 $0xFFFFF, v2  }
0x1e: {  	(xrf1) =	vunique.msk.u32 $0xffff, v0;
	_ =	sdelay $0xc  }
0x1f: {  	v1 =	vld.idx.msk [tilespmem:v0+s10+$0x0], $0xffff  }
0x20: {  	_, v3, vm0 =	vpop (xrf1);
	_ =	sdelay $0x1  }
.Ltmp0:
0x21: {  	(pc) =	sbr.rel @p0 .LBB2_2-.Ltmp0, $3  }
0x22: {  	_ =	sdelay $0x1  }
0x23: {  	v1 =	vadd.s32 v1, v3  }
0x24: {  	s17 =	sshra.s32 s18, $0x2;
	[tilespmem:v0+s10+$0x0] =	vst.idx.msk vm0, v1;
	v1 =	vadd.s32 $0xFFFFFFFF, v1;
	v0 =	vadd.s32 $0xFFFFFFFF, v2  }
0x25: {  	v2 =	vld [tilespmem:s17+$0x0];
	_ =	sdelay $0x4  }
0x26: {  	v3 =	vshrl.u32 v2, $0x14  }
0x27: {  	(xrf1) =	vunique.msk.u32 $0xffff, v3;
	_ =	sdelay $0xb  }
0x28: {  	[tilespmem:s15+$0x8C00] =	vst v1  }
0x29: {  	[tilespmem:s15+$0x10800] =	vst v0  }
0x2a: {  	v0 =	vld.idx.msk [tilespmem:v3+s10+$0x0], $0xffff;
	_, v62, vm0 =	vpop (xrf1);
	_ =	sdelay $0x4  }
0x2b: {  	v0 =	vadd.s32 v0, v62  }
0x2c: {  	s14 =	sadd.s32 $0x1, s14;
	v63 =	vand.u32 $0xFFFFF, v2;
	[tilespmem:v3+s10+$0x0] =	vst.idx.msk vm0, v0;
	v0 =	vadd.s32 $0xFFFFFFFF, v0  }
0x2d: {  	p0 =	sne.s32 s14, s6;
	v1 =	vadd.s32 $0xFFFFFFFF, v63;
	[tilespmem:s17+$0x8C00] =	vst v0  }
.Ltmp1:
0x2e: {  	[tilespmem:s17+$0x10800] =	vst v1;
	(pc) =	sbr.rel @p0 .LBB2_1-.Ltmp1, $4  }
0x2f: {  	[hbm4b:s3+s10] =	stream.indirect.scatter [tilespmem:s12], [sflag:$0x1], $0x1, s11, s10, $0xb8;
	[tilespmem:$0x18400] =	vst v63  }
0x30: {  	_ =	swait.ge [sflag:s13], $0x7C00  }
0x31: {  	[sflag:s13] =	ssyncset.done $0x0  }
0x32: {  	[sflag:s13] =	ssyncadd.s32 $0xFFFF8400  }
0x33: {  	_ =	sfence.sel $0x180000  }
0x34: {  	[bflag:$0x0] =	sbarrier.arrive $0xFFFF  }
0x35: {  	p0 =	sne.s32 s1, $0x0;
	_ =	strace $0x90000056  }
0x36: {  	s0 =	sadd.s32 @!p0 $0x100000, s0;
	[bflag:$0x2] =	sbarrier.arrive $0xFFFF  }
0x37: {  	[sflag:s0] =	ssyncadd.tile.s32 @!p0 $0x1;
	_ =	shalt  }
.Lfunc_end2:
_tile_overlayer_lowered:
.L_overlay_start_2:
0x38: {  	(tag) =	ssettag $0x2  }
0x39: {  	s0 =	rddreg [dreg:$0x0];
	s2 =	stileid.u32  }
0x3a: {  	s1 =	rddreg [dreg:$0x1];
	p0 =	sne.s32 s2, $0x0  }
0x3b: {  	s3 =	rddreg [dreg:$0x2];
	[bflag:$0x3] =	sbarrier.arrive $0xFFFF;
	s2 =	simm.s32 @!p0 $0x1C02  }
0x3c: {  	[timem:s3], [sflag:s2] =	dma.local @!p0 [hbm:s0], s1  }
0x3d: {  	s0 =	simm.s32 @!p0 $0x2  }
0x3e: {  	_ =	swait.ge @!p0 [sflag:s0], s1  }
0x3f: {  	s1 =	ssub.s32 @!p0 $0x0, s1;
	[sflag:s0] =	ssyncset.done @!p0 $0x0  }
0x40: {  	[sflag:s0] =	ssyncadd.s32 @!p0 s1  }
0x41: {  	[bflag:$0x3] =	sbarrier.arrive $0xFFFF  }
0x42: {  	_ =	shalt  }

// kernel: kernel.9.cloned.1.call-start
scs
__scs_entry_jumppad:
0x0: {  	(pc) =	sbr.rel $0x88, $3  }
0x1: {  	(tag) =	ssettag $0x0;
	lr =	simm.s32 $0x1  }
0x2: {  	[smem:$0x3FA0] =	sst lr;
	_ =	strace $0xD0000000  }
0x3: {  	_ = 	snop  }
0x4: {  	_ = 	snop  }
0x5: {  	_ = 	snop  }
0x6: {  	_ = 	snop  }
0x7: {  	_ = 	snop  }
__scs_overlays_trampoline_lowered:
0x8: {  	[smem:$0x3FAF] =	sst s0  }
0x9: {  	[smem:$0x3FB0] =	sst s1  }
0xa: {  	[smem:$0x3FB1] =	sst s2  }
0xb: {  	[smem:$0x3FB2] =	sst s3  }
0xc: {  	[smem:$0x3FB3] =	sst s4  }
0xd: {  	[smem:$0x3FB4] =	sst s5  }
0xe: {  	[smem:$0x3FB5] =	sst s6  }
0xf: {  	[smem:$0x3FB6] =	sst s7  }
0x10: {  	[smem:$0x3FB7] =	sst s8  }
0x11: {  	[smem:$0x3FB8] =	sst s9;
	s0 =	simm.s32 @!p0 $0x0  }
0x12: {  	s1 =	sld [smem:$0x3F9E];
	s0 =	simm.s32 @p0 $0x1  }
0x13: {  	[smem:$0x3FB9] =	sst s0;
	s0 =	simm.s32 @!p1 $0x0  }
0x14: {  	s2 =	sld [smem:$0x3F9D];
	s0 =	simm.s32 @p1 $0x1  }
0x15: {  	[smem:$0x3FBA] =	sst s0;
	s0 =	simm.s32 @!p2 $0x0  }
0x16: {  	s3 =	sld [smem:$0x3FDB];
	s0 =	simm.s32 @p2 $0x1  }
0x17: {  	s4 =	simm.s32 $0x1BF5;
	[smem:$0x3FBC] =	sst s0  }
0x18: {  	s0 =	sld [smem:$0x3F9F];
	_ =	swait.ge [sflag:s4], $0x0  }
0x19: {  	s7 =	sld [smem:$0x3FA0]  }
0x1a: {  	s8 =	sadd.s32 $0xFFFFE003, lr  }
0x1b: {  	s9 =	sadd.s32 $0xFFFFFEF7, lr;
	s5 =	simm.s32 $0xFFFFFFFF;
	p2 =	slt.u32 s8, $0xFFFFF086  }
0x1c: {  	p1 =	slt.u32 s9, $0xF7A;
	s5 =	simm.s32 @!p2 $0x0  }
0x1d: {  	s5 =	simm.s32 @p1 $0x1;
	p0 =	seq.s32 s7, s2  }
0x1e: {  	s7 =	smul.u32 @!p0 $0xF7A, s2;
	p2 =	seq.s32 @!p0 s5, $0x0  }
0x1f: {  	s9 =	smul.u32 $0xF7A, s1;
	s8 =	simm.s32 @!p0 $0x1BF5;
	p2 =	por !p2, p0  }
0x20: {  	[sflag:s8] =	ssyncset.s32 @!p0 $0xFFFFF086;
	s6 =	sadd.s32 @!p0 s3, s7;
	s7 =	simm.s32 @!p0 $0x108  }
0x21: {  	s3 =	sadd.s32 s3, s9;
	s6 =	sadd.s32 @!p0 $0x88, s6;
	s7 =	simm.s32 @p2 $0x1082  }
0x22: {  	[simem:s7], [sflag:s8] =	dma.local @!p0 [hbm:s6], $0xF7A  }
0x23: {  	s9 =	sor.u32 $0xD0000000, s2;
	s6 =	simm.s32 $0x108;
	_ =	swait.ge @!p0 [sflag:s8], $0x0  }
0x24: {  	s3 =	sadd.s32 $0x88, s3;
	s6 =	simm.s32 @!p1 $0x1082;
	[sflag:s4] =	ssyncset.s32 $0xFFFFF086  }
0x25: {  	[simem:s6], [sflag:s4] =	dma.local [hbm:s3], $0xF7A  }
0x26: {  	[smem:$0x3FA0] =	sst s1;
	(tag) =	ssettag s2;
	_ =	strace s9  }
0x27: {  	s1 =	sld [smem:$0x3FB0]  }
0x28: {  	s2 =	sld [smem:$0x3FB1]  }
0x29: {  	s4 =	sld [smem:$0x3FB3]  }
0x2a: {  	p0 =	seq.s32 s5, $0x0;
	s5 =	sld [smem:$0x3FB4]  }
0x2b: {  	s6 =	sld [smem:$0x3FB5]  }
0x2c: {  	s7 =	sld [smem:$0x3FB6]  }
0x2d: {  	s3 =	simm.s32 $0x108;
	s8 =	sld [smem:$0x3FB7]  }
0x2e: {  	s3 =	simm.s32 @!p0 $0x1082;
	s9 =	sld [smem:$0x3FB8]  }
0x2f: {  	lr =	sadd.s32 s0, s3;
	s0 =	sld [smem:$0x3FAF]  }
0x30: {  	s3 =	sld [smem:$0x3FB2]  }
0x31: {  	[smem:$0x3FBB] =	sst s10  }
0x32: {  	s10 =	sld [smem:$0x3FB9];
	_ =	sdelay $0x3  }
0x33: {  	p0 =	seq.s32 s10, $0x1;
	s10 =	sld [smem:$0x3FBB];
	_ =	sdelay $0x3  }
0x34: {  	[smem:$0x3FBB] =	sst s10  }
0x35: {  	s10 =	sld [smem:$0x3FBA];
	_ =	sdelay $0x3  }
0x36: {  	p1 =	seq.s32 s10, $0x1;
	s10 =	sld [smem:$0x3FBB];
	_ =	sdelay $0x3  }
0x37: {  	[smem:$0x3FBB] =	sst s10  }
0x38: {  	s10 =	sld [smem:$0x3FBC]  }
0x39: {  	_ = 	snop;
	(pc) =	sbr.ind lr, $3  }
0x3a: {  	_ = 	snop  }
0x3b: {  	_ = 	snop  }
0x3c: {  	p2 =	seq.s32 s10, $0x1;
	s10 =	sld [smem:$0x3FBB]  }
0x3d: {  	_ =	shalt  }
0x3e: {  	_ =	shalt  }
0x3f: {  	_ =	shalt  }
0x40: {  	_ =	shalt  }
0x41: {  	_ =	shalt  }
0x42: {  	_ =	shalt  }
0x43: {  	_ =	shalt  }
0x44: {  	_ =	shalt  }
0x45: {  	_ =	shalt  }
0x46: {  	_ =	shalt  }
0x47: {  	_ =	shalt  }
0x48: {  	_ =	shalt  }
0x49: {  	_ =	shalt  }
0x4a: {  	_ =	shalt  }
0x4b: {  	_ =	shalt  }
0x4c: {  	_ =	shalt  }
0x4d: {  	_ =	shalt  }
0x4e: {  	_ =	shalt  }
0x4f: {  	_ =	shalt  }
0x50: {  	_ =	shalt  }
0x51: {  	_ =	shalt  }
0x52: {  	_ =	shalt  }
0x53: {  	_ =	shalt  }
0x54: {  	_ =	shalt  }
0x55: {  	_ =	shalt  }
0x56: {  	_ =	shalt  }
0x57: {  	_ =	shalt  }
0x58: {  	_ =	shalt  }
0x59: {  	_ =	shalt  }
0x5a: {  	_ =	shalt  }
0x5b: {  	_ =	shalt  }
0x5c: {  	_ =	shalt  }
0x5d: {  	_ =	shalt  }
0x5e: {  	_ =	shalt  }
0x5f: {  	_ =	shalt  }
0x60: {  	_ =	shalt  }
0x61: {  	_ =	shalt  }
0x62: {  	_ =	shalt  }
0x63: {  	_ =	shalt  }
0x64: {  	_ =	shalt  }
0x65: {  	_ =	shalt  }
0x66: {  	_ =	shalt  }
0x67: {  	_ =	shalt  }
0x68: {  	_ =	shalt  }
0x69: {  	_ =	shalt  }
0x6a: {  	_ =	shalt  }
0x6b: {  	_ =	shalt  }
0x6c: {  	_ =	shalt  }
0x6d: {  	_ =	shalt  }
0x6e: {  	_ =	shalt  }
0x6f: {  	_ =	shalt  }
0x70: {  	_ =	shalt  }
0x71: {  	_ =	shalt  }
0x72: {  	_ =	shalt  }
0x73: {  	_ =	shalt  }
0x74: {  	_ =	shalt  }
0x75: {  	_ =	shalt  }
0x76: {  	_ =	shalt  }
0x77: {  	_ =	shalt  }
0x78: {  	_ =	shalt  }
0x79: {  	_ =	shalt  }
0x7a: {  	_ =	shalt  }
0x7b: {  	_ =	shalt  }
0x7c: {  	_ =	shalt  }
0x7d: {  	_ =	shalt  }
0x7e: {  	_ =	shalt  }
0x7f: {  	_ =	shalt  }
0x80: {  	_ =	shalt  }
0x81: {  	_ =	shalt  }
0x82: {  	_ =	shalt  }
0x83: {  	_ =	shalt  }
0x84: {  	_ =	shalt  }
0x85: {  	_ =	shalt  }
0x86: {  	_ =	shalt  }
0x87: {  	_ =	shalt  }
.Lfunc_end0:
.L_simem_size_0:
called_computation_lowered:
.L_overlay_start_0:
0x88: {  	s2 =	sld [smem:$0x3FD9]  }
0x89: {  	s3 =	sld [smem:$0x3FFE];
	_ =	sdelay $0x1  }
0x8a: {  	s1 =	srdreg.scid  }
0x8b: {  	s0 =	sand.u32 $0x1, s1  }
0x8c: {  	s14 =	sshll.u32 s0, $0xA;
	s2 =	sadd.s32 s3, s2  }
0x8d: {  	s2 =	sadd.s32 s2, s14  }
0x8e: {  	[smem:$0x3FC7] =	sst s2  }
0x8f: {  	_ = 	snop  }
0x90: {  	s2 =	sld [smem:$0x3FD0];
	_ =	sdelay $0x2  }
0x91: {  	s15 =	simm.s32 $0xA;
	s4 =	simm.s32 $0x10  }
0x92: {  	[smem:s4], [sflag:s15] =	dma.local [hbm:s2], $0x1  }
0x93: {  	_ =	swait.eq [sflag:s15], $0x1  }
0x94: {  	[sflag:s15] =	ssyncset.done $0x0  }
0x95: {  	[sflag:s15] =	ssyncadd.s32 $0xFFFFFFFF  }
0x96: {  	s16 =	sld [smem:$0x10];
	(tm) =	ssettm $0x1  }
0x97: {  	s17 =	sld [smem:$0x3FFB];
	_ =	sdelay $0x3  }
0x98: {  	_ =	strace s17  }
0x99: {  	s3 =	sld [smem:$0x3FFC];
	_ =	sdelay $0x3  }
0x9a: {  	_ =	strace s3  }
0x9b: {  	s3 =	sld [smem:$0x3FFD];
	_ =	sdelay $0x3  }
0x9c: {  	_ =	strace s3  }
0x9d: {  	_ =	strace $0x8FFFFFFF  }
0x9e: {  	s18 =	sld [smem:$0x3FDB];
	_ =	sdelay $0x1  }
0x9f: {  	s19 =	simm.s32 $_scs_section_size  }
0xa0: {  	s5 =	simm.s32 $_size__tile_overlayer_lowered;
	s6 =	simm.s32 $_tile_overlayer_lowered  }
0xa1: {  	s22 =	simm.s32 $0x1BFF;
	s21 =	sshll.u32 s6, $0x1;
	s3 =	sadd.s32 s19, s18  }
0xa2: {  	s7 =	simm.s32 $0x0;
	s20 =	sshll.u32 s5, $0x1;
	s5 =	sadd.s32 s21, s3  }
0xa3: {  	[timem:s7], [sflag:s22] =	dma.local [hbm:s5], s20  }
0xa4: {  	_ =	swait.ge [sflag:s22], s20  }
0xa5: {  	s4 =	ssub.s32 $0x0, s20;
	[sflag:s22] =	ssyncset.done $0x0  }
0xa6: {  	[sflag:s22] =	ssyncadd.s32 s4;
	_ =	sdelay $0x1  }
0xa7: {  	s23 =	simm.s32 $0x1B8B  }
0xa8: {  	_ =	swait.ge [sflag:s23], $0x1  }
0xa9: {  	[sflag:s23] =	ssyncset.done $0x0  }
0xaa: {  	s25 =	simm.s32 $0x1B8E;
	s24 =	sld [smem:$0x3FFE];
	[sflag:s23] =	ssyncadd.s32 $0xFFFFFFFF  }
0xab: {  	s26 =	simm.s32 $execute0_lowered;
	[smem:$0x3FD2] =	sst s25  }
0xac: {  	s5 =	sshll.u32 s26, $0x1;
	_ =	strace $0x80000046;
	[dreg:$0x1] =	wrdreg $0xFFFFFFFF  }
0xad: {  	s28 =	simm.s32 $_size_execute0_lowered;
	s3 =	sadd.s32 s3, s5;
	[dreg:$0x0] =	wrdreg $0x0  }
0xae: {  	s5 =	sshll.u32 s28, $0x1;
	[dreg:$0x2] =	wrdreg s3  }
0xaf: {  	[dreg:$0x3] =	wrdreg s5  }
0xb0: {  	[dreg:$0x4] =	wrdreg $0xC0  }
0xb1: {  	_ =	task [dreg:s7], $0x5FFFF  }
0xb2: {  	[dreg:$0x1] =	wrdreg $0xFFFFFFFF  }
0xb3: {  	[dreg:$0x0] =	wrdreg $0x60  }
0xb4: {  	[dreg:$0x2] =	wrdreg s24  }
0xb5: {  	[dreg:$0x3] =	wrdreg s16  }
0xb6: {  	[dreg:$0x4] =	wrdreg $0x9  }
0xb7: {  	_ =	task.clear_ibuf [dreg:s7], $0x5FFFF;
	_ =	strace $0x90000046  }
0xb8: {  	s29 =	simm.s32 $0x9;
	_ =	strace $0x80000048  }
0xb9: {  	_ =	swait.ge [sflag:s29], $0x1  }
0xba: {  	[sflag:s29] =	ssyncadd.s32 $0xFFFFFFFF  }
0xbb: {  	_ =	strace $0x90000048  }
0xbc: {  	_ =	sfence  }
0xbd: {  	s30 =	sld [smem:$0x0];
	_ =	sdelay $0x2  }
0xbe: {  	s31 =	sshll.u32 s1, $0xD;
	s1 =	sshrl.u32 s1, $0x2  }
0xbf: {  	s3 =	sand.u32 $0x4000, s31;
	s1 =	sadd.s32 s1, s30  }
0xc0: {  	s0 =	sor.u32 s3, s0;
	s1 =	sshll.u32 s1, $0x11  }
0xc1: {  	s0 =	sor.u32 s1, s0  }
0xc2: {  	s0 =	sadd.s32 $0x8F2B, s0  }
0xc3: {  	[sflag:s0] =	ssyncadd.remote.s32 $0x1  }
0xc4: {  	_ =	sfence.sel $0xFFFF  }
0xc5: {  	[dreg:$0x0] =	wrdreg $0xFFFFFFFF;
	(pc) =	sbr.abs _section_cstart, $3  }
0xc6: {  	[dreg:$0x1] =	wrdreg $0xFFFFFFFF  }
0xc7: {  	_ =	task.clear_ibuf [dreg:s7], $0x2FFFF;
	_ =	strace $0x9FFFFFFF  }
0xc8: {  	(tm) =	ssettm $0x7FFFFFFF  }
0xc9: {  	_ =	shalt  }
tec
execute0_lowered:
.L_overlay_start_1:
0x0: {  	(tag) =	ssettag $0x1  }
0x1: {  	s0 =	srdreg.scid;
	s3 =	rddreg [dreg:$0x0]  }
0x2: {  	s5 =	rddreg [dreg:$0x1];
	s1 =	stileid.u32  }
0x3: {  	s2 =	simm.s32 $0x0;
	s4 =	sand.u32 $0x1, s0;
	s0 =	rddreg [dreg:$0x2]  }
0x4: {  	s9 =	simm.s32 $0x400;
	[smem:$0x7FF] =	sst s2;
	s6 =	sshll.u32 s4, $0x4  }
0x5: {  	s8 =	sshll.u32 s1, $0x4;
	_ =	strace $0x80000047;
	s6 =	sor.u32 s1, s6  }
0x6: {  	s4 =	ssub.s32 $0x2, s4;
	s31 =	sand.u32 $0x70, s8;
	s7 =	smul.u32 $0xF80, s6  }
0x7: {  	s8 =	simm.s32 $0x80;
	s29 =	sshrl.u32 s4, $0x1;
	s5 =	sadd.s32 s5, s31  }
0x8: {  	s30 =	sshll.u32 s6, $0x9;
	s6 =	simm.s32 $0x1;
	s3 =	sadd.s32 s7, s3  }
0x9: {  	s7 =	ssub.s32 s4, s29;
	s4 =	sand.u32 $0x3000, s30;
	s3 =	sadd.s32 $0x2200, s3  }
0xa: {  	v0 =	vimm.s32 $0x0;
	s4 =	sadd.s32 s4, s5;
	s5 =	smax.u32 s7, $0x1;
	s7 =	simm.s32 $0x7C00  }
.LBB2_1:
0xb: {  	s10 =	simm.s32 $0x40;
	s11 =	simm.s32 $0x0  }
.LBB2_2:
0xc: {  	p0 =	sne.s32 s10, $0x3FC0;
	[tilespmem:s11+$0x7C00] =	vst v0;
	s11 =	smov.u32 s10;
	s10 =	sadd.s32 $0x40, s10  }
.Ltmp0:
0xd: {  	(pc) =	sbr.rel @p0 .LBB2_2-.Ltmp0, $2  }
0xe: {  	_ =	sdelay $0x2  }
0xf: {  	s11 =	sshra.s32 s11, $0x2  }
0x10: {  	[tilespmem:s11+$0x7C00] =	vst v0;
	s10 =	simm.s32 $0x0  }
0x11: {  	[tilespmem:s10], [sflag:$0x1] =	stream.linear.gather [hbm4b:s3+s10], $0x7C00, $0x38;
	[tilespmem:$0x8C00] =	vst v63  }
0x12: {  	_ =	swait.ge [sflag:s6], $0x7C00  }
0x13: {  	[sflag:s6] =	ssyncset.done $0x0  }
0x14: {  	s11 =	simm.s32 $0x0;
	s10 =	simm.s32 $0x40;
	[sflag:s6] =	ssyncadd.s32 $0xFFFF8400  }
.LBB2_4:
0x15: {  	p0 =	sne.s32 s10, $0x1EFC0;
	v1 =	vld [tilespmem:s11+$0x0];
	_ =	sdelay $0x4  }
0x16: {  	v1 =	vand.u32 $0xFFF, v1  }
0x17: {  	(xrf1) =	vunique.msk.u32 $0xffff, v1;
	_ =	sdelay $0xd  }
0x18: {  	_, v2, vm0 =	vpop (xrf1);
	_ =	sdelay $0x1  }
.Ltmp1:
0x19: {  	(pc) =	sbr.rel @p0 .LBB2_4-.Ltmp1, $2  }
0x1a: {  	_ =	sdelay $0x2  }
0x1b: {  	s11 =	sshra.s32 s10, $0x2;
	s10 =	sadd.s32 $0x40, s10;
	[tilespmem:v1+s7+$0x0] =	vst.idx.add.s32.msk vm0, v2  }
0x1c: {  	v1 =	vld [tilespmem:s11+$0x0];
	_ =	sdelay $0x4  }
0x1d: {  	v1 =	vand.u32 $0xFFF, v1  }
0x1e: {  	(xrf1) =	vunique.msk.u32 $0xffff, v1;
	_ =	sdelay $0xd  }
0x1f: {  	_, v2, vm0 =	vpop (xrf1);
	_ =	sdelay $0x3  }
0x20: {  	s2 =	sadd.s32 $0x1, s2  }
0x21: {  	p0 =	sne.s32 s2, s5  }
.Ltmp2:
0x22: {  	[tilespmem:v1+s7+$0x0] =	vst.idx.add.s32.msk vm0, v2;
	(pc) =	sbr.rel @p0 .LBB2_1-.Ltmp2, $4  }
0x23: {  	[hbm4b:s4+s8] =	stream.strided.scatter [tilespmem:s7], [sflag:$0x1], $0x1000, s9, s8, $0x38;
	[tilespmem:$0x8C00] =	vst v63  }
0x24: {  	_ =	swait.ge [sflag:s6], $0x1000  }
0x25: {  	[sflag:s6] =	ssyncset.done $0x0  }
0x26: {  	[sflag:s6] =	ssyncadd.s32 $0xFFFFF000  }
0x27: {  	_ =	sfence.sel $0x180000  }
0x28: {  	[bflag:$0x0] =	sbarrier.arrive $0xFFFF  }
0x29: {  	p0 =	sne.s32 s1, $0x0;
	_ =	strace $0x90000047  }
0x2a: {  	s0 =	sadd.s32 @!p0 $0x100000, s0;
	[bflag:$0x2] =	sbarrier.arrive $0xFFFF  }
0x2b: {  	[sflag:s0] =	ssyncadd.tile.s32 @!p0 $0x1;
	_ =	shalt  }
.Lfunc_end2:
_tile_overlayer_lowered:
.L_overlay_start_2:
0x2c: {  	(tag) =	ssettag $0x2  }
0x2d: {  	s0 =	rddreg [dreg:$0x0];
	s2 =	stileid.u32  }
0x2e: {  	s1 =	rddreg [dreg:$0x1];
	p0 =	sne.s32 s2, $0x0  }
0x2f: {  	s3 =	rddreg [dreg:$0x2];
	[bflag:$0x3] =	sbarrier.arrive $0xFFFF;
	s2 =	simm.s32 @!p0 $0x1C01  }
0x30: {  	[timem:s3], [sflag:s2] =	dma.local @!p0 [hbm:s0], s1  }
0x31: {  	s0 =	simm.s32 @!p0 $0x1  }
0x32: {  	_ =	swait.ge @!p0 [sflag:s0], s1  }
0x33: {  	s1 =	ssub.s32 @!p0 $0x0, s1;
	[sflag:s0] =	ssyncset.done @!p0 $0x0  }
0x34: {  	[sflag:s0] =	ssyncadd.s32 @!p0 s1  }
0x35: {  	[bflag:$0x3] =	sbarrier.arrive $0xFFFF  }
0x36: {  	_ =	shalt  }

</sc_bundles>
